<compile_context>
chip_gen: v7x
topology: tpu7x:2x2x1
jax: 0.10.2.dev20260603
libtpu: 0.0.44.dev20260713+nightly
codegen_flags: <defaults>
</compile_context>

<pallas_src>
import jax
import jax.numpy as jnp
from jax import lax
from jax.experimental import pallas as pl
from jax.experimental.pallas import tpu as pltpu
from jax.experimental.pallas import tpu_sc as plsc

NC = 2
NS = 16
CHUNK = 80


def _seg_sum_sc(n_nodes, n_edges, feat, with_cnt):
  nw = NC * NS
  epw = n_edges // nw
  iters = epw // CHUNK
  assert iters % 2 == 1 and iters * CHUNK * nw == n_edges
  rpt = (-(-n_nodes // NS) + 7) // 8 * 8
  last = n_nodes - (NS - 1) * rpt

  out_type = [jax.ShapeDtypeStruct((NC, n_nodes, feat), jnp.float32)]
  if with_cnt:
    out_type.append(jax.ShapeDtypeStruct((NC, n_nodes, 16), jnp.float32))

  scratch = [
      pltpu.VMEM((iters, CHUNK), jnp.int32),
      pltpu.VMEM((iters, CHUNK), jnp.int32),
      pltpu.VMEM((CHUNK, feat), jnp.float32),
      pltpu.VMEM((CHUNK, feat), jnp.float32),
      pltpu.VMEM_SHARED((n_nodes, feat), jnp.float32),
      pltpu.SemaphoreType.DMA,
  ]
  if with_cnt:
    scratch += [
        pltpu.VMEM((CHUNK, 16), jnp.float32),
        pltpu.VMEM_SHARED((n_nodes, 16), jnp.float32),
        pltpu.SemaphoreType.DMA,
    ]

  mesh = plsc.VectorSubcoreMesh(core_axis_name="c", subcore_axis_name="s")

  def body(*refs):
    if with_cnt:
      (p_hbm, srcm, dstm, z64, z16, ones_hbm, agg_out, cnt_out,
       src_v, dst_v, rows_a, rows_b, acc_sh, sem, ones_v, cnt_sh,
       sem_c) = refs
    else:
      (p_hbm, srcm, dstm, z64, agg_out,
       src_v, dst_v, rows_a, rows_b, acc_sh, sem) = refs
    c = lax.axis_index("c")
    s = lax.axis_index("s")
    wid = s * NC + c
    rbase = s * rpt

    def ranged(do):
      @pl.when(s < NS - 1)
      def _():
        do(rpt)
      @pl.when(s == NS - 1)
      def _():
        do(last)

    ranged(lambda sz: pltpu.sync_copy(z64.at[pl.ds(0, sz)],
                                      acc_sh.at[pl.ds(rbase, sz)]))
    if with_cnt:
      ranged(lambda sz: pltpu.sync_copy(z16.at[pl.ds(0, sz)],
                                        cnt_sh.at[pl.ds(rbase, sz)]))
      pltpu.sync_copy(ones_hbm, ones_v)
    pltpu.sync_copy(srcm.at[wid], src_v)
    pltpu.sync_copy(dstm.at[wid], dst_v)
    plsc.subcore_barrier()

    def consume(j, buf):
      pltpu.make_async_copy(p_hbm.at[src_v.at[j]], buf, sem).wait()
      if with_cnt:
        pltpu.async_copy(ones_v, cnt_sh.at[dst_v.at[j]], sem_c, add=True)
      pltpu.sync_copy(buf, acc_sh.at[dst_v.at[j]], add=True)

    pltpu.async_copy(p_hbm.at[src_v.at[0]], rows_a, sem)

    def pair(g, carry):
      j = 2 * g
      pltpu.async_copy(p_hbm.at[src_v.at[j + 1]], rows_b, sem)
      consume(j, rows_a)
      pltpu.async_copy(p_hbm.at[src_v.at[j + 2]], rows_a, sem)
      consume(j + 1, rows_b)
      return carry

    lax.fori_loop(0, (iters - 1) // 2, pair, 0)
    consume(iters - 1, rows_a)
    if with_cnt:
      def drain(j, carry):
        pltpu.make_async_copy(ones_v, cnt_sh.at[dst_v.at[j]], sem_c).wait()
        return carry
      lax.fori_loop(0, iters, drain, 0)
    plsc.subcore_barrier()
    ranged(lambda sz: pltpu.sync_copy(acc_sh.at[pl.ds(rbase, sz)],
                                      agg_out.at[c, pl.ds(rbase, sz)]))
    if with_cnt:
      ranged(lambda sz: pltpu.sync_copy(cnt_sh.at[pl.ds(rbase, sz)],
                                        cnt_out.at[c, pl.ds(rbase, sz)]))

  return pl.kernel(body, out_type=out_type, mesh=mesh, scratch_types=scratch,
                   compiler_params=pltpu.CompilerParams(
                       use_tc_tiling_on_sc=False))


def _tc1_body(x_ref, w_ref, p_ref, r_ref):
  y = jnp.dot(x_ref[...], w_ref[...], preferred_element_type=jnp.float32)
  dh = p_ref.shape[1]
  p_ref[...] = y[:, :dh]
  r_ref[...] = y[:, dh:]


def _tc2_body(a_ref, c_ref, r_ref, b_ref, w_ref, p_ref, r2_ref):
  agg = a_ref[0] + a_ref[1]
  cnt = c_ref[0, :, 0:1] + c_ref[1, :, 0:1]
  hpre = agg / jnp.maximum(cnt, 1.0) + b_ref[...] + r_ref[...]
  colmean = jnp.mean(hpre, axis=0, keepdims=True)
  rnorm = jnp.sqrt(1e-6 + jnp.sum(hpre * hpre, axis=1, keepdims=True))
  h = jnp.maximum(hpre / rnorm - colmean, 0.0)
  y = jnp.dot(h, w_ref[...], preferred_element_type=jnp.float32)
  dh = p_ref.shape[1]
  p_ref[...] = y[:, :dh]
  r2_ref[...] = y[:, dh:]


def _tc3_body(a_ref, c_ref, r_ref, b_ref, o_ref):
  agg = a_ref[0] + a_ref[1]
  cnt = c_ref[0, :, 0:1] + c_ref[1, :, 0:1]
  o_ref[...] = agg / jnp.maximum(cnt, 1.0) + b_ref[...] + r_ref[...]


@jax.jit
def kernel(x, edge_index, Wl1, bl1, Wr1, Wl2, bl2, Wr2):
  n, din = x.shape
  e = edge_index.shape[1]
  dh = Wl1.shape[1]
  dout = Wl2.shape[1]

  nw = NC * NS
  srcm = edge_index[0].reshape(nw, e // (nw * CHUNK), CHUNK)
  dstm = edge_index[1].reshape(nw, e // (nw * CHUNK), CHUNK)
  rpt = (-(-n // NS) + 7) // 8 * 8
  z64 = jnp.zeros((rpt, dh), jnp.float32)
  z16 = jnp.zeros((rpt, 16), jnp.float32)
  ones16 = jnp.ones((CHUNK, 16), jnp.float32)
  wcat1 = jnp.concatenate([Wl1, Wr1], axis=1)
  wcat2 = jnp.concatenate([Wl2, Wr2], axis=1)

  p1, r1 = pl.pallas_call(
      _tc1_body,
      out_shape=[jax.ShapeDtypeStruct((n, dh), jnp.float32),
                 jax.ShapeDtypeStruct((n, dh), jnp.float32)],
  )(x, wcat1)

  seg1 = _seg_sum_sc(n, e, dh, with_cnt=True)
  agg1, cnt16 = seg1(p1, srcm, dstm, z64, z16, ones16)

  p2, r2 = pl.pallas_call(
      _tc2_body,
      out_shape=[jax.ShapeDtypeStruct((n, dout), jnp.float32),
                 jax.ShapeDtypeStruct((n, dout), jnp.float32)],
  )(agg1, cnt16, r1, bl1.reshape(1, dh), wcat2)

  seg2 = _seg_sum_sc(n, e, dout, with_cnt=False)
  (agg2,) = seg2(p2, srcm, dstm, z64)

  out = pl.pallas_call(
      _tc3_body,
      out_shape=jax.ShapeDtypeStruct((n, dout), jnp.float32),
  )(agg2, cnt16, r2, bl2.reshape(1, dout))
  return out

# --- scband reference (transcript-rebuilt; emitter-appended) ---
"""Pipeline reference for scband-source-learner-v2-43843026157868 (READ-ONLY COPY).

The authoritative reference and input builder live on the scoring server;
editing this copy changes nothing except your own understanding.
"""

import jax, jax.numpy as jnp
import numpy as np

N = 10000
E = 320000
DIN = 128
DH = 64
DOUT = 64


def setup_inputs(seed: int = 0) -> dict:
    key = jax.random.key(seed)
    ks = jax.random.split(key, 10)
    x = jax.random.normal(ks[0], (N, DIN), dtype=jnp.float32)
    edge_index = jax.random.randint(ks[1], (2, E), 0, N, dtype=jnp.int32)
    # SAGEConv layer 1: lin_l (aggregated neighbors, with bias), lin_r (root, no bias)
    Wl1 = jax.random.normal(ks[2], (DIN, DH), dtype=jnp.float32) * (1.0 / np.sqrt(DIN))
    bl1 = jnp.zeros((DH,), dtype=jnp.float32)
    Wr1 = jax.random.normal(ks[3], (DIN, DH), dtype=jnp.float32) * (1.0 / np.sqrt(DIN))
    # SAGEConv layer 2
    Wl2 = jax.random.normal(ks[4], (DH, DOUT), dtype=jnp.float32) * (1.0 / np.sqrt(DH))
    bl2 = jnp.zeros((DOUT,), dtype=jnp.float32)
    Wr2 = jax.random.normal(ks[5], (DH, DOUT), dtype=jnp.float32) * (1.0 / np.sqrt(DH))
    return {"x": x, "edge_index": edge_index, "Wl1": Wl1, "bl1": bl1, "Wr1": Wr1,
            "Wl2": Wl2, "bl2": bl2, "Wr2": Wr2}


def _pairnorm_scs(x, scale=1.0):
    # PairNorm 'PN-SCS': scale-and-center-simultaneously
    col_mean = x.mean(axis=0)
    rownorm_individual = jnp.sqrt(1e-06 + jnp.sum(x * x, axis=1, keepdims=True))
    return scale * x / rownorm_individual - col_mean


def _sage_conv(x, src, dst, Wl, bl, Wr, n_nodes):
    # mean aggregation of source-node features at destination nodes
    msg = jnp.take(x, src, axis=0)                       # gather  [E, d]
    summed = jax.ops.segment_sum(msg, dst, num_segments=n_nodes)  # scatter-add
    cnt = jax.ops.segment_sum(jnp.ones((src.shape[0],), dtype=x.dtype), dst,
                              num_segments=n_nodes)
    mean = summed / jnp.clip(cnt, 1.0)[:, None]
    return mean @ Wl + bl + x @ Wr                       # lin_l(aggr) + lin_r(x)


def reference(x, edge_index, Wl1, bl1, Wr1, Wl2, bl2, Wr2):
    src = edge_index[0]
    dst = edge_index[1]
    # layer 1: SAGEConv -> PairNorm(PN-SCS, scale=1) -> relu -> dropout(eval: no-op)
    h = _sage_conv(x, src, dst, Wl1, bl1, Wr1, N)
    h = _pairnorm_scs(h, 1.0)
    h = jax.nn.relu(h)
    # layer 2 (final): SAGEConv, no norm / activation, log_softmax=False
    out = _sage_conv(h, src, dst, Wl2, bl2, Wr2, N)
    return out

if __name__ == "__main__":
    import jax
    _d = setup_inputs()
    print(jax.jit(kernel)(*tuple(_d.values())))

</pallas_src>

<mosaic_0001>
#map = affine_map<(d0, d1) -> (0, 0)>
#map1 = affine_map<(d0, d1) -> (0, 0, 0)>
module attributes {stable_mosaic.version = 14 : i64} {
  func.func @body(%arg0: i32, %arg1: i32, %arg2: memref<10000x64xf32, #tpu.memory_space<hbm>>, %arg3: memref<32x125x80xi32, #tpu.memory_space<hbm>>, %arg4: memref<32x125x80xi32, #tpu.memory_space<hbm>>, %arg5: memref<632x64xf32, #tpu.memory_space<hbm>>, %arg6: memref<632x16xf32, #tpu.memory_space<hbm>>, %arg7: memref<80x16xf32, #tpu.memory_space<hbm>>, %arg8: memref<2x10000x64xf32, #tpu.memory_space<hbm>>, %arg9: memref<2x10000x16xf32, #tpu.memory_space<hbm>>, %arg10: memref<125x80xi32, #tpu.memory_space<vmem>>, %arg11: memref<125x80xi32, #tpu.memory_space<vmem>>, %arg12: memref<80x64xf32, #tpu.memory_space<vmem>>, %arg13: memref<80x64xf32, #tpu.memory_space<vmem>>, %arg14: memref<10000x64xf32, #tpu.memory_space<vmem_shared>>, %arg15: memref<!tpu.dma_semaphore, #tpu.memory_space<semaphore_mem>>, %arg16: memref<80x16xf32, #tpu.memory_space<vmem>>, %arg17: memref<10000x16xf32, #tpu.memory_space<vmem_shared>>, %arg18: memref<!tpu.dma_semaphore, #tpu.memory_space<semaphore_mem>>) attributes {dimension_semantics = [#tpu.dimension_semantics<core_parallel>, #tpu.dimension_semantics<subcore_parallel>], iteration_bounds = array<i64: 2, 16>, scalar_prefetch = 0 : i64, scratch_operands = 9 : i64, tpu.core_type = #tpu.core_type<sc_vector_subcore>, window_params = [{transform_indices = #map}, {transform_indices = #map1}, {transform_indices = #map1}, {transform_indices = #map}, {transform_indices = #map}, {transform_indices = #map}, {transform_indices = #map1}, {transform_indices = #map1}]} {
    %mul3A = arith.constant 2 : i32
    %mul3A_0 = arith.muli %arg1, %mul3A : i32
    %add3A = arith.addi %mul3A_0, %arg0 : i32
    %mul3A_1 = arith.constant 632 : i32
    %mul3A_2 = arith.muli %arg1, %mul3A_1 : i32
    %lt3A = arith.constant 15 : i32
    %lt3A_3 = arith.cmpi slt, %arg1, %lt3A : i32
    %convert_element_type3A = arith.extui %lt3A_3 : i1 to i32
    %cond3A = arith.constant 0 : i32
    %cond3A_4 = arith.cmpi ne, %convert_element_type3A, %cond3A : i32
    scf.if %cond3A_4 {
      "tpu.region"() ({
        %run_scoped3A_70 = tpu.sem_alloc : memref<!tpu.dma_semaphore, #tpu.memory_space<semaphore_mem>>
        %dma_start3A_71 = arith.constant 0 : i32
        %dma_start3A_72 = tpu.memref_slice %arg14[%mul3A_2, %dma_start3A_71] : memref<10000x64xf32, #tpu.memory_space<vmem_shared>> -> memref<632x64xf32, #tpu.memory_space<vmem_shared>>
        %dma_start3A_73 = arith.constant 0 : i32
        %dma_start3A_74 = arith.constant 0 : i32
        %dma_start3A_75 = tpu.memref_slice %arg5[%dma_start3A_73, %dma_start3A_74] : memref<632x64xf32, #tpu.memory_space<hbm>> -> memref<632x64xf32, #tpu.memory_space<hbm>>
        tpu.enqueue_dma source(%dma_start3A_75 : memref<632x64xf32, #tpu.memory_space<hbm>>) target(%dma_start3A_72 : memref<632x64xf32, #tpu.memory_space<vmem_shared>>) target_semaphore(%run_scoped3A_70 : memref<!tpu.dma_semaphore, #tpu.memory_space<semaphore_mem>>)
        %dma_wait3A_76 = arith.constant 0 : i32
        %dma_wait3A_77 = tpu.memref_slice %arg14[%mul3A_2, %dma_wait3A_76] : memref<10000x64xf32, #tpu.memory_space<vmem_shared>> -> memref<632x64xf32, #tpu.memory_space<vmem_shared>>
        %dma_wait3A_78 = arith.constant 0 : i32
        %dma_wait3A_79 = arith.constant 0 : i32
        %dma_wait3A_80 = tpu.memref_slice %arg5[%dma_wait3A_78, %dma_wait3A_79] : memref<632x64xf32, #tpu.memory_space<hbm>> -> memref<632x64xf32, #tpu.memory_space<hbm>>
        tpu.wait_dma2 semaphore(%run_scoped3A_70 : memref<!tpu.dma_semaphore, #tpu.memory_space<semaphore_mem>>) src(%dma_wait3A_80 : memref<632x64xf32, #tpu.memory_space<hbm>>) dst(%dma_wait3A_77 : memref<632x64xf32, #tpu.memory_space<vmem_shared>>)
        tpu.yield
      }) : () -> ()
    } else {
    }
    %eq3A = arith.constant 15 : i32
    %eq3A_5 = arith.cmpi eq, %arg1, %eq3A : i32
    %convert_element_type3A_6 = arith.extui %eq3A_5 : i1 to i32
    %cond3A_7 = arith.constant 0 : i32
    %cond3A_8 = arith.cmpi ne, %convert_element_type3A_6, %cond3A_7 : i32
    scf.if %cond3A_8 {
      "tpu.region"() ({
        %run_scoped3A_70 = tpu.sem_alloc : memref<!tpu.dma_semaphore, #tpu.memory_space<semaphore_mem>>
        %dma_start3A_71 = arith.constant 0 : i32
        %dma_start3A_72 = tpu.memref_slice %arg14[%mul3A_2, %dma_start3A_71] : memref<10000x64xf32, #tpu.memory_space<vmem_shared>> -> memref<520x64xf32, #tpu.memory_space<vmem_shared>>
        %dma_start3A_73 = arith.constant 0 : i32
        %dma_start3A_74 = arith.constant 0 : i32
        %dma_start3A_75 = tpu.memref_slice %arg5[%dma_start3A_73, %dma_start3A_74] : memref<632x64xf32, #tpu.memory_space<hbm>> -> memref<520x64xf32, #tpu.memory_space<hbm>>
        tpu.enqueue_dma source(%dma_start3A_75 : memref<520x64xf32, #tpu.memory_space<hbm>>) target(%dma_start3A_72 : memref<520x64xf32, #tpu.memory_space<vmem_shared>>) target_semaphore(%run_scoped3A_70 : memref<!tpu.dma_semaphore, #tpu.memory_space<semaphore_mem>>)
        %dma_wait3A_76 = arith.constant 0 : i32
        %dma_wait3A_77 = tpu.memref_slice %arg14[%mul3A_2, %dma_wait3A_76] : memref<10000x64xf32, #tpu.memory_space<vmem_shared>> -> memref<520x64xf32, #tpu.memory_space<vmem_shared>>
        %dma_wait3A_78 = arith.constant 0 : i32
        %dma_wait3A_79 = arith.constant 0 : i32
        %dma_wait3A_80 = tpu.memref_slice %arg5[%dma_wait3A_78, %dma_wait3A_79] : memref<632x64xf32, #tpu.memory_space<hbm>> -> memref<520x64xf32, #tpu.memory_space<hbm>>
        tpu.wait_dma2 semaphore(%run_scoped3A_70 : memref<!tpu.dma_semaphore, #tpu.memory_space<semaphore_mem>>) src(%dma_wait3A_80 : memref<520x64xf32, #tpu.memory_space<hbm>>) dst(%dma_wait3A_77 : memref<520x64xf32, #tpu.memory_space<vmem_shared>>)
        tpu.yield
      }) : () -> ()
    } else {
    }
    %lt3A_9 = arith.constant 15 : i32
    %lt3A_10 = arith.cmpi slt, %arg1, %lt3A_9 : i32
    %convert_element_type3A_11 = arith.extui %lt3A_10 : i1 to i32
    %cond3A_12 = arith.constant 0 : i32
    %cond3A_13 = arith.cmpi ne, %convert_element_type3A_11, %cond3A_12 : i32
    scf.if %cond3A_13 {
      "tpu.region"() ({
        %run_scoped3A_70 = tpu.sem_alloc : memref<!tpu.dma_semaphore, #tpu.memory_space<semaphore_mem>>
        %dma_start3A_71 = arith.constant 0 : i32
        %dma_start3A_72 = tpu.memref_slice %arg17[%mul3A_2, %dma_start3A_71] : memref<10000x16xf32, #tpu.memory_space<vmem_shared>> -> memref<632x16xf32, #tpu.memory_space<vmem_shared>>
        %dma_start3A_73 = arith.constant 0 : i32
        %dma_start3A_74 = arith.constant 0 : i32
        %dma_start3A_75 = tpu.memref_slice %arg6[%dma_start3A_73, %dma_start3A_74] : memref<632x16xf32, #tpu.memory_space<hbm>> -> memref<632x16xf32, #tpu.memory_space<hbm>>
        tpu.enqueue_dma source(%dma_start3A_75 : memref<632x16xf32, #tpu.memory_space<hbm>>) target(%dma_start3A_72 : memref<632x16xf32, #tpu.memory_space<vmem_shared>>) target_semaphore(%run_scoped3A_70 : memref<!tpu.dma_semaphore, #tpu.memory_space<semaphore_mem>>)
        %dma_wait3A_76 = arith.constant 0 : i32
        %dma_wait3A_77 = tpu.memref_slice %arg17[%mul3A_2, %dma_wait3A_76] : memref<10000x16xf32, #tpu.memory_space<vmem_shared>> -> memref<632x16xf32, #tpu.memory_space<vmem_shared>>
        %dma_wait3A_78 = arith.constant 0 : i32
        %dma_wait3A_79 = arith.constant 0 : i32
        %dma_wait3A_80 = tpu.memref_slice %arg6[%dma_wait3A_78, %dma_wait3A_79] : memref<632x16xf32, #tpu.memory_space<hbm>> -> memref<632x16xf32, #tpu.memory_space<hbm>>
        tpu.wait_dma2 semaphore(%run_scoped3A_70 : memref<!tpu.dma_semaphore, #tpu.memory_space<semaphore_mem>>) src(%dma_wait3A_80 : memref<632x16xf32, #tpu.memory_space<hbm>>) dst(%dma_wait3A_77 : memref<632x16xf32, #tpu.memory_space<vmem_shared>>)
        tpu.yield
      }) : () -> ()
    } else {
    }
    %eq3A_14 = arith.constant 15 : i32
    %eq3A_15 = arith.cmpi eq, %arg1, %eq3A_14 : i32
    %convert_element_type3A_16 = arith.extui %eq3A_15 : i1 to i32
    %cond3A_17 = arith.constant 0 : i32
    %cond3A_18 = arith.cmpi ne, %convert_element_type3A_16, %cond3A_17 : i32
    scf.if %cond3A_18 {
      "tpu.region"() ({
        %run_scoped3A_70 = tpu.sem_alloc : memref<!tpu.dma_semaphore, #tpu.memory_space<semaphore_mem>>
        %dma_start3A_71 = arith.constant 0 : i32
        %dma_start3A_72 = tpu.memref_slice %arg17[%mul3A_2, %dma_start3A_71] : memref<10000x16xf32, #tpu.memory_space<vmem_shared>> -> memref<520x16xf32, #tpu.memory_space<vmem_shared>>
        %dma_start3A_73 = arith.constant 0 : i32
        %dma_start3A_74 = arith.constant 0 : i32
        %dma_start3A_75 = tpu.memref_slice %arg6[%dma_start3A_73, %dma_start3A_74] : memref<632x16xf32, #tpu.memory_space<hbm>> -> memref<520x16xf32, #tpu.memory_space<hbm>>
        tpu.enqueue_dma source(%dma_start3A_75 : memref<520x16xf32, #tpu.memory_space<hbm>>) target(%dma_start3A_72 : memref<520x16xf32, #tpu.memory_space<vmem_shared>>) target_semaphore(%run_scoped3A_70 : memref<!tpu.dma_semaphore, #tpu.memory_space<semaphore_mem>>)
        %dma_wait3A_76 = arith.constant 0 : i32
        %dma_wait3A_77 = tpu.memref_slice %arg17[%mul3A_2, %dma_wait3A_76] : memref<10000x16xf32, #tpu.memory_space<vmem_shared>> -> memref<520x16xf32, #tpu.memory_space<vmem_shared>>
        %dma_wait3A_78 = arith.constant 0 : i32
        %dma_wait3A_79 = arith.constant 0 : i32
        %dma_wait3A_80 = tpu.memref_slice %arg6[%dma_wait3A_78, %dma_wait3A_79] : memref<632x16xf32, #tpu.memory_space<hbm>> -> memref<520x16xf32, #tpu.memory_space<hbm>>
        tpu.wait_dma2 semaphore(%run_scoped3A_70 : memref<!tpu.dma_semaphore, #tpu.memory_space<semaphore_mem>>) src(%dma_wait3A_80 : memref<520x16xf32, #tpu.memory_space<hbm>>) dst(%dma_wait3A_77 : memref<520x16xf32, #tpu.memory_space<vmem_shared>>)
        tpu.yield
      }) : () -> ()
    } else {
    }
    "tpu.region"() ({
      %run_scoped3A_70 = tpu.sem_alloc : memref<!tpu.dma_semaphore, #tpu.memory_space<semaphore_mem>>
      tpu.enqueue_dma source(%arg7 : memref<80x16xf32, #tpu.memory_space<hbm>>) target(%arg16 : memref<80x16xf32, #tpu.memory_space<vmem>>) target_semaphore(%run_scoped3A_70 : memref<!tpu.dma_semaphore, #tpu.memory_space<semaphore_mem>>)
      tpu.wait_dma2 semaphore(%run_scoped3A_70 : memref<!tpu.dma_semaphore, #tpu.memory_space<semaphore_mem>>) src(%arg7 : memref<80x16xf32, #tpu.memory_space<hbm>>) dst(%arg16 : memref<80x16xf32, #tpu.memory_space<vmem>>)
      tpu.yield
    }) : () -> ()
    "tpu.region"() ({
      %run_scoped3A_70 = tpu.sem_alloc : memref<!tpu.dma_semaphore, #tpu.memory_space<semaphore_mem>>
      %dma_start3A_71 = arith.constant 0 : i32
      %dma_start3A_72 = arith.constant 0 : i32
      %dma_start3A_73 = tpu.memref_slice %arg3[%add3A, %dma_start3A_71, %dma_start3A_72] : memref<32x125x80xi32, #tpu.memory_space<hbm>> -> memref<1x125x80xi32, #tpu.memory_space<hbm>>
      %dma_start3A_74 = tpu.memref_squeeze %dma_start3A_73 : memref<1x125x80xi32, #tpu.memory_space<hbm>> -> memref<125x80xi32, #tpu.memory_space<hbm>>
      %dma_start3A_75 = arith.constant 0 : i32
      %dma_start3A_76 = arith.constant 0 : i32
      %dma_start3A_77 = tpu.memref_slice %arg3[%add3A, %dma_start3A_75, %dma_start3A_76] : memref<32x125x80xi32, #tpu.memory_space<hbm>> -> memref<1x125x80xi32, #tpu.memory_space<hbm>>
      %dma_start3A_78 = tpu.memref_squeeze %dma_start3A_77 : memref<1x125x80xi32, #tpu.memory_space<hbm>> -> memref<125x80xi32, #tpu.memory_space<hbm>>
      tpu.enqueue_dma source(%dma_start3A_78 : memref<125x80xi32, #tpu.memory_space<hbm>>) target(%arg10 : memref<125x80xi32, #tpu.memory_space<vmem>>) target_semaphore(%run_scoped3A_70 : memref<!tpu.dma_semaphore, #tpu.memory_space<semaphore_mem>>)
      %dma_wait3A_79 = arith.constant 0 : i32
      %dma_wait3A_80 = arith.constant 0 : i32
      %dma_wait3A_81 = tpu.memref_slice %arg3[%add3A, %dma_wait3A_79, %dma_wait3A_80] : memref<32x125x80xi32, #tpu.memory_space<hbm>> -> memref<1x125x80xi32, #tpu.memory_space<hbm>>
      %dma_wait3A_82 = tpu.memref_squeeze %dma_wait3A_81 : memref<1x125x80xi32, #tpu.memory_space<hbm>> -> memref<125x80xi32, #tpu.memory_space<hbm>>
      %dma_wait3A_83 = arith.constant 0 : i32
      %dma_wait3A_84 = arith.constant 0 : i32
      %dma_wait3A_85 = tpu.memref_slice %arg3[%add3A, %dma_wait3A_83, %dma_wait3A_84] : memref<32x125x80xi32, #tpu.memory_space<hbm>> -> memref<1x125x80xi32, #tpu.memory_space<hbm>>
      %dma_wait3A_86 = tpu.memref_squeeze %dma_wait3A_85 : memref<1x125x80xi32, #tpu.memory_space<hbm>> -> memref<125x80xi32, #tpu.memory_space<hbm>>
      tpu.wait_dma2 semaphore(%run_scoped3A_70 : memref<!tpu.dma_semaphore, #tpu.memory_space<semaphore_mem>>) src(%dma_wait3A_86 : memref<125x80xi32, #tpu.memory_space<hbm>>) dst(%arg10 : memref<125x80xi32, #tpu.memory_space<vmem>>)
      tpu.yield
    }) : () -> ()
    "tpu.region"() ({
      %run_scoped3A_70 = tpu.sem_alloc : memref<!tpu.dma_semaphore, #tpu.memory_space<semaphore_mem>>
      %dma_start3A_71 = arith.constant 0 : i32
      %dma_start3A_72 = arith.constant 0 : i32
      %dma_start3A_73 = tpu.memref_slice %arg4[%add3A, %dma_start3A_71, %dma_start3A_72] : memref<32x125x80xi32, #tpu.memory_space<hbm>> -> memref<1x125x80xi32, #tpu.memory_space<hbm>>
      %dma_start3A_74 = tpu.memref_squeeze %dma_start3A_73 : memref<1x125x80xi32, #tpu.memory_space<hbm>> -> memref<125x80xi32, #tpu.memory_space<hbm>>
      %dma_start3A_75 = arith.constant 0 : i32
      %dma_start3A_76 = arith.constant 0 : i32
      %dma_start3A_77 = tpu.memref_slice %arg4[%add3A, %dma_start3A_75, %dma_start3A_76] : memref<32x125x80xi32, #tpu.memory_space<hbm>> -> memref<1x125x80xi32, #tpu.memory_space<hbm>>
      %dma_start3A_78 = tpu.memref_squeeze %dma_start3A_77 : memref<1x125x80xi32, #tpu.memory_space<hbm>> -> memref<125x80xi32, #tpu.memory_space<hbm>>
      tpu.enqueue_dma source(%dma_start3A_78 : memref<125x80xi32, #tpu.memory_space<hbm>>) target(%arg11 : memref<125x80xi32, #tpu.memory_space<vmem>>) target_semaphore(%run_scoped3A_70 : memref<!tpu.dma_semaphore, #tpu.memory_space<semaphore_mem>>)
      %dma_wait3A_79 = arith.constant 0 : i32
      %dma_wait3A_80 = arith.constant 0 : i32
      %dma_wait3A_81 = tpu.memref_slice %arg4[%add3A, %dma_wait3A_79, %dma_wait3A_80] : memref<32x125x80xi32, #tpu.memory_space<hbm>> -> memref<1x125x80xi32, #tpu.memory_space<hbm>>
      %dma_wait3A_82 = tpu.memref_squeeze %dma_wait3A_81 : memref<1x125x80xi32, #tpu.memory_space<hbm>> -> memref<125x80xi32, #tpu.memory_space<hbm>>
      %dma_wait3A_83 = arith.constant 0 : i32
      %dma_wait3A_84 = arith.constant 0 : i32
      %dma_wait3A_85 = tpu.memref_slice %arg4[%add3A, %dma_wait3A_83, %dma_wait3A_84] : memref<32x125x80xi32, #tpu.memory_space<hbm>> -> memref<1x125x80xi32, #tpu.memory_space<hbm>>
      %dma_wait3A_86 = tpu.memref_squeeze %dma_wait3A_85 : memref<1x125x80xi32, #tpu.memory_space<hbm>> -> memref<125x80xi32, #tpu.memory_space<hbm>>
      tpu.wait_dma2 semaphore(%run_scoped3A_70 : memref<!tpu.dma_semaphore, #tpu.memory_space<semaphore_mem>>) src(%dma_wait3A_86 : memref<125x80xi32, #tpu.memory_space<hbm>>) dst(%arg11 : memref<125x80xi32, #tpu.memory_space<vmem>>)
      tpu.yield
    }) : () -> ()
    %barrier3A = arith.constant 0 : index
    tpu.barrier barrier_id(%barrier3A)
    %dma_start3A = arith.constant 0 : i32
    %dma_start3A_19 = arith.constant 0 : i32
    %dma_start3A_20 = tpu.memref_slice %arg10[%dma_start3A, %dma_start3A_19] : memref<125x80xi32, #tpu.memory_space<vmem>> -> memref<1x80xi32, #tpu.memory_space<vmem>>
    %dma_start3A_21 = tpu.memref_squeeze %dma_start3A_20 : memref<1x80xi32, #tpu.memory_space<vmem>> -> memref<80xi32, #tpu.memory_space<vmem>>
    %dma_start3A_22 = arith.constant 0 : i32
    %dma_start3A_23 = arith.constant 0 : i32
    %dma_start3A_24 = tpu.memref_slice %arg2[%dma_start3A_22, %dma_start3A_23] : memref<10000x64xf32, #tpu.memory_space<hbm>> -> memref<10000x64xf32, #tpu.memory_space<hbm>>
    tpu.enqueue_indirect_dma source(%dma_start3A_24 : memref<10000x64xf32, #tpu.memory_space<hbm>>) target(%arg12 : memref<80x64xf32, #tpu.memory_space<vmem>>) offsets(%dma_start3A_21 : memref<80xi32, #tpu.memory_space<vmem>>) semaphore(%arg15 : memref<!tpu.dma_semaphore, #tpu.memory_space<semaphore_mem>>)
    %scan3A = arith.constant 0 : i32
    %scan3A_25 = arith.constant 0 : i32
    %scan3A_26 = arith.constant 62 : i32
    %scan3A_27 = arith.addi %scan3A_25, %scan3A_26 : i32
    %scan3A_28 = arith.constant 1 : i32
    scf.for %scan3A_70 = %scan3A_25 to %scan3A_27 step %scan3A_28  : i32 {
      %mul3A_71 = arith.constant 2 : i32
      %mul3A_72 = arith.muli %mul3A_71, %scan3A_70 : i32
      %add3A_73 = arith.constant 1 : i32
      %add3A_74 = arith.addi %mul3A_72, %add3A_73 : i32
      %dma_start3A_75 = arith.constant 0 : i32
      %dma_start3A_76 = tpu.memref_slice %arg10[%add3A_74, %dma_start3A_75] : memref<125x80xi32, #tpu.memory_space<vmem>> -> memref<1x80xi32, #tpu.memory_space<vmem>>
      %dma_start3A_77 = tpu.memref_squeeze %dma_start3A_76 : memref<1x80xi32, #tpu.memory_space<vmem>> -> memref<80xi32, #tpu.memory_space<vmem>>
      %dma_start3A_78 = arith.constant 0 : i32
      %dma_start3A_79 = arith.constant 0 : i32
      %dma_start3A_80 = tpu.memref_slice %arg2[%dma_start3A_78, %dma_start3A_79] : memref<10000x64xf32, #tpu.memory_space<hbm>> -> memref<10000x64xf32, #tpu.memory_space<hbm>>
      tpu.enqueue_indirect_dma source(%dma_start3A_80 : memref<10000x64xf32, #tpu.memory_space<hbm>>) target(%arg13 : memref<80x64xf32, #tpu.memory_space<vmem>>) offsets(%dma_start3A_77 : memref<80xi32, #tpu.memory_space<vmem>>) semaphore(%arg15 : memref<!tpu.dma_semaphore, #tpu.memory_space<semaphore_mem>>)
      %dma_wait3A_81 = arith.constant 0 : i32
      %dma_wait3A_82 = tpu.memref_slice %arg10[%mul3A_72, %dma_wait3A_81] : memref<125x80xi32, #tpu.memory_space<vmem>> -> memref<1x80xi32, #tpu.memory_space<vmem>>
      %dma_wait3A_83 = tpu.memref_squeeze %dma_wait3A_82 : memref<1x80xi32, #tpu.memory_space<vmem>> -> memref<80xi32, #tpu.memory_space<vmem>>
      %dma_wait3A_84 = arith.constant 0 : i32
      %dma_wait3A_85 = arith.constant 0 : i32
      %dma_wait3A_86 = tpu.memref_slice %arg2[%dma_wait3A_84, %dma_wait3A_85] : memref<10000x64xf32, #tpu.memory_space<hbm>> -> memref<10000x64xf32, #tpu.memory_space<hbm>>
      tpu.wait_indirect_dma semaphore(%arg15 : memref<!tpu.dma_semaphore, #tpu.memory_space<semaphore_mem>>) src(%dma_wait3A_86 : memref<10000x64xf32, #tpu.memory_space<hbm>>) dst(%arg12 : memref<80x64xf32, #tpu.memory_space<vmem>>)
      %dma_start3A_87 = arith.constant 0 : i32
      %dma_start3A_88 = tpu.memref_slice %arg11[%mul3A_72, %dma_start3A_87] : memref<125x80xi32, #tpu.memory_space<vmem>> -> memref<1x80xi32, #tpu.memory_space<vmem>>
      %dma_start3A_89 = tpu.memref_squeeze %dma_start3A_88 : memref<1x80xi32, #tpu.memory_space<vmem>> -> memref<80xi32, #tpu.memory_space<vmem>>
      %dma_start3A_90 = arith.constant 0 : i32
      %dma_start3A_91 = arith.constant 0 : i32
      %dma_start3A_92 = tpu.memref_slice %arg17[%dma_start3A_90, %dma_start3A_91] : memref<10000x16xf32, #tpu.memory_space<vmem_shared>> -> memref<10000x16xf32, #tpu.memory_space<vmem_shared>>
      tpu.enqueue_indirect_dma source(%arg16 : memref<80x16xf32, #tpu.memory_space<vmem>>) target(%dma_start3A_92 : memref<10000x16xf32, #tpu.memory_space<vmem_shared>>) offsets(%dma_start3A_89 : memref<80xi32, #tpu.memory_space<vmem>>) semaphore(%arg18 : memref<!tpu.dma_semaphore, #tpu.memory_space<semaphore_mem>>) {add = true}
      "tpu.region"() ({
        %run_scoped3A_115 = tpu.sem_alloc : memref<!tpu.dma_semaphore, #tpu.memory_space<semaphore_mem>>
        %dma_start3A_116 = arith.constant 0 : i32
        %dma_start3A_117 = tpu.memref_slice %arg11[%mul3A_72, %dma_start3A_116] : memref<125x80xi32, #tpu.memory_space<vmem>> -> memref<1x80xi32, #tpu.memory_space<vmem>>
        %dma_start3A_118 = tpu.memref_squeeze %dma_start3A_117 : memref<1x80xi32, #tpu.memory_space<vmem>> -> memref<80xi32, #tpu.memory_space<vmem>>
        %dma_start3A_119 = arith.constant 0 : i32
        %dma_start3A_120 = arith.constant 0 : i32
        %dma_start3A_121 = tpu.memref_slice %arg14[%dma_start3A_119, %dma_start3A_120] : memref<10000x64xf32, #tpu.memory_space<vmem_shared>> -> memref<10000x64xf32, #tpu.memory_space<vmem_shared>>
        tpu.enqueue_indirect_dma source(%arg12 : memref<80x64xf32, #tpu.memory_space<vmem>>) target(%dma_start3A_121 : memref<10000x64xf32, #tpu.memory_space<vmem_shared>>) offsets(%dma_start3A_118 : memref<80xi32, #tpu.memory_space<vmem>>) semaphore(%run_scoped3A_115 : memref<!tpu.dma_semaphore, #tpu.memory_space<semaphore_mem>>) {add = true}
        %dma_wait3A_122 = arith.constant 0 : i32
        %dma_wait3A_123 = tpu.memref_slice %arg11[%mul3A_72, %dma_wait3A_122] : memref<125x80xi32, #tpu.memory_space<vmem>> -> memref<1x80xi32, #tpu.memory_space<vmem>>
        %dma_wait3A_124 = tpu.memref_squeeze %dma_wait3A_123 : memref<1x80xi32, #tpu.memory_space<vmem>> -> memref<80xi32, #tpu.memory_space<vmem>>
        %dma_wait3A_125 = arith.constant 0 : i32
        %dma_wait3A_126 = arith.constant 0 : i32
        %dma_wait3A_127 = tpu.memref_slice %arg14[%dma_wait3A_125, %dma_wait3A_126] : memref<10000x64xf32, #tpu.memory_space<vmem_shared>> -> memref<10000x64xf32, #tpu.memory_space<vmem_shared>>
        tpu.wait_indirect_dma semaphore(%run_scoped3A_115 : memref<!tpu.dma_semaphore, #tpu.memory_space<semaphore_mem>>) src(%arg12 : memref<80x64xf32, #tpu.memory_space<vmem>>) dst(%dma_wait3A_127 : memref<10000x64xf32, #tpu.memory_space<vmem_shared>>)
        tpu.yield
      }) : () -> ()
      %add3A_93 = arith.constant 2 : i32
      %add3A_94 = arith.addi %mul3A_72, %add3A_93 : i32
      %dma_start3A_95 = arith.constant 0 : i32
      %dma_start3A_96 = tpu.memref_slice %arg10[%add3A_94, %dma_start3A_95] : memref<125x80xi32, #tpu.memory_space<vmem>> -> memref<1x80xi32, #tpu.memory_space<vmem>>
      %dma_start3A_97 = tpu.memref_squeeze %dma_start3A_96 : memref<1x80xi32, #tpu.memory_space<vmem>> -> memref<80xi32, #tpu.memory_space<vmem>>
      %dma_start3A_98 = arith.constant 0 : i32
      %dma_start3A_99 = arith.constant 0 : i32
      %dma_start3A_100 = tpu.memref_slice %arg2[%dma_start3A_98, %dma_start3A_99] : memref<10000x64xf32, #tpu.memory_space<hbm>> -> memref<10000x64xf32, #tpu.memory_space<hbm>>
      tpu.enqueue_indirect_dma source(%dma_start3A_100 : memref<10000x64xf32, #tpu.memory_space<hbm>>) target(%arg12 : memref<80x64xf32, #tpu.memory_space<vmem>>) offsets(%dma_start3A_97 : memref<80xi32, #tpu.memory_space<vmem>>) semaphore(%arg15 : memref<!tpu.dma_semaphore, #tpu.memory_space<semaphore_mem>>)
      %add3A_101 = arith.constant 1 : i32
      %add3A_102 = arith.addi %mul3A_72, %add3A_101 : i32
      %dma_wait3A_103 = arith.constant 0 : i32
      %dma_wait3A_104 = tpu.memref_slice %arg10[%add3A_102, %dma_wait3A_103] : memref<125x80xi32, #tpu.memory_space<vmem>> -> memref<1x80xi32, #tpu.memory_space<vmem>>
      %dma_wait3A_105 = tpu.memref_squeeze %dma_wait3A_104 : memref<1x80xi32, #tpu.memory_space<vmem>> -> memref<80xi32, #tpu.memory_space<vmem>>
      %dma_wait3A_106 = arith.constant 0 : i32
      %dma_wait3A_107 = arith.constant 0 : i32
      %dma_wait3A_108 = tpu.memref_slice %arg2[%dma_wait3A_106, %dma_wait3A_107] : memref<10000x64xf32, #tpu.memory_space<hbm>> -> memref<10000x64xf32, #tpu.memory_space<hbm>>
      tpu.wait_indirect_dma semaphore(%arg15 : memref<!tpu.dma_semaphore, #tpu.memory_space<semaphore_mem>>) src(%dma_wait3A_108 : memref<10000x64xf32, #tpu.memory_space<hbm>>) dst(%arg13 : memref<80x64xf32, #tpu.memory_space<vmem>>)
      %dma_start3A_109 = arith.constant 0 : i32
      %dma_start3A_110 = tpu.memref_slice %arg11[%add3A_102, %dma_start3A_109] : memref<125x80xi32, #tpu.memory_space<vmem>> -> memref<1x80xi32, #tpu.memory_space<vmem>>
      %dma_start3A_111 = tpu.memref_squeeze %dma_start3A_110 : memref<1x80xi32, #tpu.memory_space<vmem>> -> memref<80xi32, #tpu.memory_space<vmem>>
      %dma_start3A_112 = arith.constant 0 : i32
      %dma_start3A_113 = arith.constant 0 : i32
      %dma_start3A_114 = tpu.memref_slice %arg17[%dma_start3A_112, %dma_start3A_113] : memref<10000x16xf32, #tpu.memory_space<vmem_shared>> -> memref<10000x16xf32, #tpu.memory_space<vmem_shared>>
      tpu.enqueue_indirect_dma source(%arg16 : memref<80x16xf32, #tpu.memory_space<vmem>>) target(%dma_start3A_114 : memref<10000x16xf32, #tpu.memory_space<vmem_shared>>) offsets(%dma_start3A_111 : memref<80xi32, #tpu.memory_space<vmem>>) semaphore(%arg18 : memref<!tpu.dma_semaphore, #tpu.memory_space<semaphore_mem>>) {add = true}
      "tpu.region"() ({
        %run_scoped3A_115 = tpu.sem_alloc : memref<!tpu.dma_semaphore, #tpu.memory_space<semaphore_mem>>
        %dma_start3A_116 = arith.constant 0 : i32
        %dma_start3A_117 = tpu.memref_slice %arg11[%add3A_102, %dma_start3A_116] : memref<125x80xi32, #tpu.memory_space<vmem>> -> memref<1x80xi32, #tpu.memory_space<vmem>>
        %dma_start3A_118 = tpu.memref_squeeze %dma_start3A_117 : memref<1x80xi32, #tpu.memory_space<vmem>> -> memref<80xi32, #tpu.memory_space<vmem>>
        %dma_start3A_119 = arith.constant 0 : i32
        %dma_start3A_120 = arith.constant 0 : i32
        %dma_start3A_121 = tpu.memref_slice %arg14[%dma_start3A_119, %dma_start3A_120] : memref<10000x64xf32, #tpu.memory_space<vmem_shared>> -> memref<10000x64xf32, #tpu.memory_space<vmem_shared>>
        tpu.enqueue_indirect_dma source(%arg13 : memref<80x64xf32, #tpu.memory_space<vmem>>) target(%dma_start3A_121 : memref<10000x64xf32, #tpu.memory_space<vmem_shared>>) offsets(%dma_start3A_118 : memref<80xi32, #tpu.memory_space<vmem>>) semaphore(%run_scoped3A_115 : memref<!tpu.dma_semaphore, #tpu.memory_space<semaphore_mem>>) {add = true}
        %dma_wait3A_122 = arith.constant 0 : i32
        %dma_wait3A_123 = tpu.memref_slice %arg11[%add3A_102, %dma_wait3A_122] : memref<125x80xi32, #tpu.memory_space<vmem>> -> memref<1x80xi32, #tpu.memory_space<vmem>>
        %dma_wait3A_124 = tpu.memref_squeeze %dma_wait3A_123 : memref<1x80xi32, #tpu.memory_space<vmem>> -> memref<80xi32, #tpu.memory_space<vmem>>
        %dma_wait3A_125 = arith.constant 0 : i32
        %dma_wait3A_126 = arith.constant 0 : i32
        %dma_wait3A_127 = tpu.memref_slice %arg14[%dma_wait3A_125, %dma_wait3A_126] : memref<10000x64xf32, #tpu.memory_space<vmem_shared>> -> memref<10000x64xf32, #tpu.memory_space<vmem_shared>>
        tpu.wait_indirect_dma semaphore(%run_scoped3A_115 : memref<!tpu.dma_semaphore, #tpu.memory_space<semaphore_mem>>) src(%arg13 : memref<80x64xf32, #tpu.memory_space<vmem>>) dst(%dma_wait3A_127 : memref<10000x64xf32, #tpu.memory_space<vmem_shared>>)
        tpu.yield
      }) : () -> ()
    }
    %scan3A_29 = arith.constant 62 : i32
    %dma_wait3A = arith.constant 124 : i32
    %dma_wait3A_30 = arith.constant 0 : i32
    %dma_wait3A_31 = tpu.memref_slice %arg10[%dma_wait3A, %dma_wait3A_30] : memref<125x80xi32, #tpu.memory_space<vmem>> -> memref<1x80xi32, #tpu.memory_space<vmem>>
    %dma_wait3A_32 = tpu.memref_squeeze %dma_wait3A_31 : memref<1x80xi32, #tpu.memory_space<vmem>> -> memref<80xi32, #tpu.memory_space<vmem>>
    %dma_wait3A_33 = arith.constant 0 : i32
    %dma_wait3A_34 = arith.constant 0 : i32
    %dma_wait3A_35 = tpu.memref_slice %arg2[%dma_wait3A_33, %dma_wait3A_34] : memref<10000x64xf32, #tpu.memory_space<hbm>> -> memref<10000x64xf32, #tpu.memory_space<hbm>>
    tpu.wait_indirect_dma semaphore(%arg15 : memref<!tpu.dma_semaphore, #tpu.memory_space<semaphore_mem>>) src(%dma_wait3A_35 : memref<10000x64xf32, #tpu.memory_space<hbm>>) dst(%arg12 : memref<80x64xf32, #tpu.memory_space<vmem>>)
    %dma_start3A_36 = arith.constant 124 : i32
    %dma_start3A_37 = arith.constant 0 : i32
    %dma_start3A_38 = tpu.memref_slice %arg11[%dma_start3A_36, %dma_start3A_37] : memref<125x80xi32, #tpu.memory_space<vmem>> -> memref<1x80xi32, #tpu.memory_space<vmem>>
    %dma_start3A_39 = tpu.memref_squeeze %dma_start3A_38 : memref<1x80xi32, #tpu.memory_space<vmem>> -> memref<80xi32, #tpu.memory_space<vmem>>
    %dma_start3A_40 = arith.constant 0 : i32
    %dma_start3A_41 = arith.constant 0 : i32
    %dma_start3A_42 = tpu.memref_slice %arg17[%dma_start3A_40, %dma_start3A_41] : memref<10000x16xf32, #tpu.memory_space<vmem_shared>> -> memref<10000x16xf32, #tpu.memory_space<vmem_shared>>
    tpu.enqueue_indirect_dma source(%arg16 : memref<80x16xf32, #tpu.memory_space<vmem>>) target(%dma_start3A_42 : memref<10000x16xf32, #tpu.memory_space<vmem_shared>>) offsets(%dma_start3A_39 : memref<80xi32, #tpu.memory_space<vmem>>) semaphore(%arg18 : memref<!tpu.dma_semaphore, #tpu.memory_space<semaphore_mem>>) {add = true}
    %run_scoped3A = arith.constant 124 : i32
    "tpu.region"() ({
      %run_scoped3A_70 = tpu.sem_alloc : memref<!tpu.dma_semaphore, #tpu.memory_space<semaphore_mem>>
      %dma_start3A_71 = arith.constant 0 : i32
      %dma_start3A_72 = tpu.memref_slice %arg11[%run_scoped3A, %dma_start3A_71] : memref<125x80xi32, #tpu.memory_space<vmem>> -> memref<1x80xi32, #tpu.memory_space<vmem>>
      %dma_start3A_73 = tpu.memref_squeeze %dma_start3A_72 : memref<1x80xi32, #tpu.memory_space<vmem>> -> memref<80xi32, #tpu.memory_space<vmem>>
      %dma_start3A_74 = arith.constant 0 : i32
      %dma_start3A_75 = arith.constant 0 : i32
      %dma_start3A_76 = tpu.memref_slice %arg14[%dma_start3A_74, %dma_start3A_75] : memref<10000x64xf32, #tpu.memory_space<vmem_shared>> -> memref<10000x64xf32, #tpu.memory_space<vmem_shared>>
      tpu.enqueue_indirect_dma source(%arg12 : memref<80x64xf32, #tpu.memory_space<vmem>>) target(%dma_start3A_76 : memref<10000x64xf32, #tpu.memory_space<vmem_shared>>) offsets(%dma_start3A_73 : memref<80xi32, #tpu.memory_space<vmem>>) semaphore(%run_scoped3A_70 : memref<!tpu.dma_semaphore, #tpu.memory_space<semaphore_mem>>) {add = true}
      %dma_wait3A_77 = arith.constant 0 : i32
      %dma_wait3A_78 = tpu.memref_slice %arg11[%run_scoped3A, %dma_wait3A_77] : memref<125x80xi32, #tpu.memory_space<vmem>> -> memref<1x80xi32, #tpu.memory_space<vmem>>
      %dma_wait3A_79 = tpu.memref_squeeze %dma_wait3A_78 : memref<1x80xi32, #tpu.memory_space<vmem>> -> memref<80xi32, #tpu.memory_space<vmem>>
      %dma_wait3A_80 = arith.constant 0 : i32
      %dma_wait3A_81 = arith.constant 0 : i32
      %dma_wait3A_82 = tpu.memref_slice %arg14[%dma_wait3A_80, %dma_wait3A_81] : memref<10000x64xf32, #tpu.memory_space<vmem_shared>> -> memref<10000x64xf32, #tpu.memory_space<vmem_shared>>
      tpu.wait_indirect_dma semaphore(%run_scoped3A_70 : memref<!tpu.dma_semaphore, #tpu.memory_space<semaphore_mem>>) src(%arg12 : memref<80x64xf32, #tpu.memory_space<vmem>>) dst(%dma_wait3A_82 : memref<10000x64xf32, #tpu.memory_space<vmem_shared>>)
      tpu.yield
    }) : () -> ()
    %scan3A_43 = arith.constant 0 : i32
    %scan3A_44 = arith.constant 0 : i32
    %scan3A_45 = arith.constant 125 : i32
    %scan3A_46 = arith.addi %scan3A_44, %scan3A_45 : i32
    %scan3A_47 = arith.constant 1 : i32
    scf.for %scan3A_70 = %scan3A_44 to %scan3A_46 step %scan3A_47  : i32 {
      %dma_wait3A_71 = arith.constant 0 : i32
      %dma_wait3A_72 = tpu.memref_slice %arg11[%scan3A_70, %dma_wait3A_71] : memref<125x80xi32, #tpu.memory_space<vmem>> -> memref<1x80xi32, #tpu.memory_space<vmem>>
      %dma_wait3A_73 = tpu.memref_squeeze %dma_wait3A_72 : memref<1x80xi32, #tpu.memory_space<vmem>> -> memref<80xi32, #tpu.memory_space<vmem>>
      %dma_wait3A_74 = arith.constant 0 : i32
      %dma_wait3A_75 = arith.constant 0 : i32
      %dma_wait3A_76 = tpu.memref_slice %arg17[%dma_wait3A_74, %dma_wait3A_75] : memref<10000x16xf32, #tpu.memory_space<vmem_shared>> -> memref<10000x16xf32, #tpu.memory_space<vmem_shared>>
      tpu.wait_indirect_dma semaphore(%arg18 : memref<!tpu.dma_semaphore, #tpu.memory_space<semaphore_mem>>) src(%arg16 : memref<80x16xf32, #tpu.memory_space<vmem>>) dst(%dma_wait3A_76 : memref<10000x16xf32, #tpu.memory_space<vmem_shared>>)
    }
    %scan3A_48 = arith.constant 125 : i32
    %barrier3A_49 = arith.constant 0 : index
    tpu.barrier barrier_id(%barrier3A_49)
    %lt3A_50 = arith.constant 15 : i32
    %lt3A_51 = arith.cmpi slt, %arg1, %lt3A_50 : i32
    %convert_element_type3A_52 = arith.extui %lt3A_51 : i1 to i32
    %cond3A_53 = arith.constant 0 : i32
    %cond3A_54 = arith.cmpi ne, %convert_element_type3A_52, %cond3A_53 : i32
    scf.if %cond3A_54 {
      "tpu.region"() ({
        %run_scoped3A_70 = tpu.sem_alloc : memref<!tpu.dma_semaphore, #tpu.memory_space<semaphore_mem>>
        %dma_start3A_71 = arith.constant 0 : i32
        %dma_start3A_72 = tpu.memref_slice %arg8[%arg0, %mul3A_2, %dma_start3A_71] : memref<2x10000x64xf32, #tpu.memory_space<hbm>> -> memref<1x632x64xf32, #tpu.memory_space<hbm>>
        %dma_start3A_73 = tpu.memref_squeeze %dma_start3A_72 : memref<1x632x64xf32, #tpu.memory_space<hbm>> -> memref<632x64xf32, #tpu.memory_space<hbm>>
        %dma_start3A_74 = arith.constant 0 : i32
        %dma_start3A_75 = tpu.memref_slice %arg14[%mul3A_2, %dma_start3A_74] : memref<10000x64xf32, #tpu.memory_space<vmem_shared>> -> memref<632x64xf32, #tpu.memory_space<vmem_shared>>
        tpu.enqueue_dma source(%dma_start3A_75 : memref<632x64xf32, #tpu.memory_space<vmem_shared>>) target(%dma_start3A_73 : memref<632x64xf32, #tpu.memory_space<hbm>>) target_semaphore(%run_scoped3A_70 : memref<!tpu.dma_semaphore, #tpu.memory_space<semaphore_mem>>)
        %dma_wait3A_76 = arith.constant 0 : i32
        %dma_wait3A_77 = tpu.memref_slice %arg8[%arg0, %mul3A_2, %dma_wait3A_76] : memref<2x10000x64xf32, #tpu.memory_space<hbm>> -> memref<1x632x64xf32, #tpu.memory_space<hbm>>
        %dma_wait3A_78 = tpu.memref_squeeze %dma_wait3A_77 : memref<1x632x64xf32, #tpu.memory_space<hbm>> -> memref<632x64xf32, #tpu.memory_space<hbm>>
        %dma_wait3A_79 = arith.constant 0 : i32
        %dma_wait3A_80 = tpu.memref_slice %arg14[%mul3A_2, %dma_wait3A_79] : memref<10000x64xf32, #tpu.memory_space<vmem_shared>> -> memref<632x64xf32, #tpu.memory_space<vmem_shared>>
        tpu.wait_dma2 semaphore(%run_scoped3A_70 : memref<!tpu.dma_semaphore, #tpu.memory_space<semaphore_mem>>) src(%dma_wait3A_80 : memref<632x64xf32, #tpu.memory_space<vmem_shared>>) dst(%dma_wait3A_78 : memref<632x64xf32, #tpu.memory_space<hbm>>)
        tpu.yield
      }) : () -> ()
    } else {
    }
    %eq3A_55 = arith.constant 15 : i32
    %eq3A_56 = arith.cmpi eq, %arg1, %eq3A_55 : i32
    %convert_element_type3A_57 = arith.extui %eq3A_56 : i1 to i32
    %cond3A_58 = arith.constant 0 : i32
    %cond3A_59 = arith.cmpi ne, %convert_element_type3A_57, %cond3A_58 : i32
    scf.if %cond3A_59 {
      "tpu.region"() ({
        %run_scoped3A_70 = tpu.sem_alloc : memref<!tpu.dma_semaphore, #tpu.memory_space<semaphore_mem>>
        %dma_start3A_71 = arith.constant 0 : i32
        %dma_start3A_72 = tpu.memref_slice %arg8[%arg0, %mul3A_2, %dma_start3A_71] : memref<2x10000x64xf32, #tpu.memory_space<hbm>> -> memref<1x520x64xf32, #tpu.memory_space<hbm>>
        %dma_start3A_73 = tpu.memref_squeeze %dma_start3A_72 : memref<1x520x64xf32, #tpu.memory_space<hbm>> -> memref<520x64xf32, #tpu.memory_space<hbm>>
        %dma_start3A_74 = arith.constant 0 : i32
        %dma_start3A_75 = tpu.memref_slice %arg14[%mul3A_2, %dma_start3A_74] : memref<10000x64xf32, #tpu.memory_space<vmem_shared>> -> memref<520x64xf32, #tpu.memory_space<vmem_shared>>
        tpu.enqueue_dma source(%dma_start3A_75 : memref<520x64xf32, #tpu.memory_space<vmem_shared>>) target(%dma_start3A_73 : memref<520x64xf32, #tpu.memory_space<hbm>>) target_semaphore(%run_scoped3A_70 : memref<!tpu.dma_semaphore, #tpu.memory_space<semaphore_mem>>)
        %dma_wait3A_76 = arith.constant 0 : i32
        %dma_wait3A_77 = tpu.memref_slice %arg8[%arg0, %mul3A_2, %dma_wait3A_76] : memref<2x10000x64xf32, #tpu.memory_space<hbm>> -> memref<1x520x64xf32, #tpu.memory_space<hbm>>
        %dma_wait3A_78 = tpu.memref_squeeze %dma_wait3A_77 : memref<1x520x64xf32, #tpu.memory_space<hbm>> -> memref<520x64xf32, #tpu.memory_space<hbm>>
        %dma_wait3A_79 = arith.constant 0 : i32
        %dma_wait3A_80 = tpu.memref_slice %arg14[%mul3A_2, %dma_wait3A_79] : memref<10000x64xf32, #tpu.memory_space<vmem_shared>> -> memref<520x64xf32, #tpu.memory_space<vmem_shared>>
        tpu.wait_dma2 semaphore(%run_scoped3A_70 : memref<!tpu.dma_semaphore, #tpu.memory_space<semaphore_mem>>) src(%dma_wait3A_80 : memref<520x64xf32, #tpu.memory_space<vmem_shared>>) dst(%dma_wait3A_78 : memref<520x64xf32, #tpu.memory_space<hbm>>)
        tpu.yield
      }) : () -> ()
    } else {
    }
    %lt3A_60 = arith.constant 15 : i32
    %lt3A_61 = arith.cmpi slt, %arg1, %lt3A_60 : i32
    %convert_element_type3A_62 = arith.extui %lt3A_61 : i1 to i32
    %cond3A_63 = arith.constant 0 : i32
    %cond3A_64 = arith.cmpi ne, %convert_element_type3A_62, %cond3A_63 : i32
    scf.if %cond3A_64 {
      "tpu.region"() ({
        %run_scoped3A_70 = tpu.sem_alloc : memref<!tpu.dma_semaphore, #tpu.memory_space<semaphore_mem>>
        %dma_start3A_71 = arith.constant 0 : i32
        %dma_start3A_72 = tpu.memref_slice %arg9[%arg0, %mul3A_2, %dma_start3A_71] : memref<2x10000x16xf32, #tpu.memory_space<hbm>> -> memref<1x632x16xf32, #tpu.memory_space<hbm>>
        %dma_start3A_73 = tpu.memref_squeeze %dma_start3A_72 : memref<1x632x16xf32, #tpu.memory_space<hbm>> -> memref<632x16xf32, #tpu.memory_space<hbm>>
        %dma_start3A_74 = arith.constant 0 : i32
        %dma_start3A_75 = tpu.memref_slice %arg17[%mul3A_2, %dma_start3A_74] : memref<10000x16xf32, #tpu.memory_space<vmem_shared>> -> memref<632x16xf32, #tpu.memory_space<vmem_shared>>
        tpu.enqueue_dma source(%dma_start3A_75 : memref<632x16xf32, #tpu.memory_space<vmem_shared>>) target(%dma_start3A_73 : memref<632x16xf32, #tpu.memory_space<hbm>>) target_semaphore(%run_scoped3A_70 : memref<!tpu.dma_semaphore, #tpu.memory_space<semaphore_mem>>)
        %dma_wait3A_76 = arith.constant 0 : i32
        %dma_wait3A_77 = tpu.memref_slice %arg9[%arg0, %mul3A_2, %dma_wait3A_76] : memref<2x10000x16xf32, #tpu.memory_space<hbm>> -> memref<1x632x16xf32, #tpu.memory_space<hbm>>
        %dma_wait3A_78 = tpu.memref_squeeze %dma_wait3A_77 : memref<1x632x16xf32, #tpu.memory_space<hbm>> -> memref<632x16xf32, #tpu.memory_space<hbm>>
        %dma_wait3A_79 = arith.constant 0 : i32
        %dma_wait3A_80 = tpu.memref_slice %arg17[%mul3A_2, %dma_wait3A_79] : memref<10000x16xf32, #tpu.memory_space<vmem_shared>> -> memref<632x16xf32, #tpu.memory_space<vmem_shared>>
        tpu.wait_dma2 semaphore(%run_scoped3A_70 : memref<!tpu.dma_semaphore, #tpu.memory_space<semaphore_mem>>) src(%dma_wait3A_80 : memref<632x16xf32, #tpu.memory_space<vmem_shared>>) dst(%dma_wait3A_78 : memref<632x16xf32, #tpu.memory_space<hbm>>)
        tpu.yield
      }) : () -> ()
    } else {
    }
    %eq3A_65 = arith.constant 15 : i32
    %eq3A_66 = arith.cmpi eq, %arg1, %eq3A_65 : i32
    %convert_element_type3A_67 = arith.extui %eq3A_66 : i1 to i32
    %cond3A_68 = arith.constant 0 : i32
    %cond3A_69 = arith.cmpi ne, %convert_element_type3A_67, %cond3A_68 : i32
    scf.if %cond3A_69 {
      "tpu.region"() ({
        %run_scoped3A_70 = tpu.sem_alloc : memref<!tpu.dma_semaphore, #tpu.memory_space<semaphore_mem>>
        %dma_start3A_71 = arith.constant 0 : i32
        %dma_start3A_72 = tpu.memref_slice %arg9[%arg0, %mul3A_2, %dma_start3A_71] : memref<2x10000x16xf32, #tpu.memory_space<hbm>> -> memref<1x520x16xf32, #tpu.memory_space<hbm>>
        %dma_start3A_73 = tpu.memref_squeeze %dma_start3A_72 : memref<1x520x16xf32, #tpu.memory_space<hbm>> -> memref<520x16xf32, #tpu.memory_space<hbm>>
        %dma_start3A_74 = arith.constant 0 : i32
        %dma_start3A_75 = tpu.memref_slice %arg17[%mul3A_2, %dma_start3A_74] : memref<10000x16xf32, #tpu.memory_space<vmem_shared>> -> memref<520x16xf32, #tpu.memory_space<vmem_shared>>
        tpu.enqueue_dma source(%dma_start3A_75 : memref<520x16xf32, #tpu.memory_space<vmem_shared>>) target(%dma_start3A_73 : memref<520x16xf32, #tpu.memory_space<hbm>>) target_semaphore(%run_scoped3A_70 : memref<!tpu.dma_semaphore, #tpu.memory_space<semaphore_mem>>)
        %dma_wait3A_76 = arith.constant 0 : i32
        %dma_wait3A_77 = tpu.memref_slice %arg9[%arg0, %mul3A_2, %dma_wait3A_76] : memref<2x10000x16xf32, #tpu.memory_space<hbm>> -> memref<1x520x16xf32, #tpu.memory_space<hbm>>
        %dma_wait3A_78 = tpu.memref_squeeze %dma_wait3A_77 : memref<1x520x16xf32, #tpu.memory_space<hbm>> -> memref<520x16xf32, #tpu.memory_space<hbm>>
        %dma_wait3A_79 = arith.constant 0 : i32
        %dma_wait3A_80 = tpu.memref_slice %arg17[%mul3A_2, %dma_wait3A_79] : memref<10000x16xf32, #tpu.memory_space<vmem_shared>> -> memref<520x16xf32, #tpu.memory_space<vmem_shared>>
        tpu.wait_dma2 semaphore(%run_scoped3A_70 : memref<!tpu.dma_semaphore, #tpu.memory_space<semaphore_mem>>) src(%dma_wait3A_80 : memref<520x16xf32, #tpu.memory_space<vmem_shared>>) dst(%dma_wait3A_78 : memref<520x16xf32, #tpu.memory_space<hbm>>)
        tpu.yield
      }) : () -> ()
    } else {
    }
    return
  }
}

#map = affine_map<(d0, d1) -> (0, 0)>
#map1 = affine_map<(d0, d1) -> (0, 0, 0)>
module attributes {stable_mosaic.version = 14 : i64} {
  func.func @body(%arg0: i32, %arg1: i32, %arg2: memref<10000x64xf32, #tpu.memory_space<hbm>>, %arg3: memref<32x125x80xi32, #tpu.memory_space<hbm>>, %arg4: memref<32x125x80xi32, #tpu.memory_space<hbm>>, %arg5: memref<632x64xf32, #tpu.memory_space<hbm>>, %arg6: memref<2x10000x64xf32, #tpu.memory_space<hbm>>, %arg7: memref<125x80xi32, #tpu.memory_space<vmem>>, %arg8: memref<125x80xi32, #tpu.memory_space<vmem>>, %arg9: memref<80x64xf32, #tpu.memory_space<vmem>>, %arg10: memref<80x64xf32, #tpu.memory_space<vmem>>, %arg11: memref<10000x64xf32, #tpu.memory_space<vmem_shared>>, %arg12: memref<!tpu.dma_semaphore, #tpu.memory_space<semaphore_mem>>) attributes {dimension_semantics = [#tpu.dimension_semantics<core_parallel>, #tpu.dimension_semantics<subcore_parallel>], iteration_bounds = array<i64: 2, 16>, scalar_prefetch = 0 : i64, scratch_operands = 6 : i64, tpu.core_type = #tpu.core_type<sc_vector_subcore>, window_params = [{transform_indices = #map}, {transform_indices = #map1}, {transform_indices = #map1}, {transform_indices = #map}, {transform_indices = #map1}]} {
    %mul3A = arith.constant 2 : i32
    %mul3A_0 = arith.muli %arg1, %mul3A : i32
    %add3A = arith.addi %mul3A_0, %arg0 : i32
    %mul3A_1 = arith.constant 632 : i32
    %mul3A_2 = arith.muli %arg1, %mul3A_1 : i32
    %lt3A = arith.constant 15 : i32
    %lt3A_3 = arith.cmpi slt, %arg1, %lt3A : i32
    %convert_element_type3A = arith.extui %lt3A_3 : i1 to i32
    %cond3A = arith.constant 0 : i32
    %cond3A_4 = arith.cmpi ne, %convert_element_type3A, %cond3A : i32
    scf.if %cond3A_4 {
      "tpu.region"() ({
        %run_scoped3A_37 = tpu.sem_alloc : memref<!tpu.dma_semaphore, #tpu.memory_space<semaphore_mem>>
        %dma_start3A_38 = arith.constant 0 : i32
        %dma_start3A_39 = tpu.memref_slice %arg11[%mul3A_2, %dma_start3A_38] : memref<10000x64xf32, #tpu.memory_space<vmem_shared>> -> memref<632x64xf32, #tpu.memory_space<vmem_shared>>
        %dma_start3A_40 = arith.constant 0 : i32
        %dma_start3A_41 = arith.constant 0 : i32
        %dma_start3A_42 = tpu.memref_slice %arg5[%dma_start3A_40, %dma_start3A_41] : memref<632x64xf32, #tpu.memory_space<hbm>> -> memref<632x64xf32, #tpu.memory_space<hbm>>
        tpu.enqueue_dma source(%dma_start3A_42 : memref<632x64xf32, #tpu.memory_space<hbm>>) target(%dma_start3A_39 : memref<632x64xf32, #tpu.memory_space<vmem_shared>>) target_semaphore(%run_scoped3A_37 : memref<!tpu.dma_semaphore, #tpu.memory_space<semaphore_mem>>)
        %dma_wait3A_43 = arith.constant 0 : i32
        %dma_wait3A_44 = tpu.memref_slice %arg11[%mul3A_2, %dma_wait3A_43] : memref<10000x64xf32, #tpu.memory_space<vmem_shared>> -> memref<632x64xf32, #tpu.memory_space<vmem_shared>>
        %dma_wait3A_45 = arith.constant 0 : i32
        %dma_wait3A_46 = arith.constant 0 : i32
        %dma_wait3A_47 = tpu.memref_slice %arg5[%dma_wait3A_45, %dma_wait3A_46] : memref<632x64xf32, #tpu.memory_space<hbm>> -> memref<632x64xf32, #tpu.memory_space<hbm>>
        tpu.wait_dma2 semaphore(%run_scoped3A_37 : memref<!tpu.dma_semaphore, #tpu.memory_space<semaphore_mem>>) src(%dma_wait3A_47 : memref<632x64xf32, #tpu.memory_space<hbm>>) dst(%dma_wait3A_44 : memref<632x64xf32, #tpu.memory_space<vmem_shared>>)
        tpu.yield
      }) : () -> ()
    } else {
    }
    %eq3A = arith.constant 15 : i32
    %eq3A_5 = arith.cmpi eq, %arg1, %eq3A : i32
    %convert_element_type3A_6 = arith.extui %eq3A_5 : i1 to i32
    %cond3A_7 = arith.constant 0 : i32
    %cond3A_8 = arith.cmpi ne, %convert_element_type3A_6, %cond3A_7 : i32
    scf.if %cond3A_8 {
      "tpu.region"() ({
        %run_scoped3A_37 = tpu.sem_alloc : memref<!tpu.dma_semaphore, #tpu.memory_space<semaphore_mem>>
        %dma_start3A_38 = arith.constant 0 : i32
        %dma_start3A_39 = tpu.memref_slice %arg11[%mul3A_2, %dma_start3A_38] : memref<10000x64xf32, #tpu.memory_space<vmem_shared>> -> memref<520x64xf32, #tpu.memory_space<vmem_shared>>
        %dma_start3A_40 = arith.constant 0 : i32
        %dma_start3A_41 = arith.constant 0 : i32
        %dma_start3A_42 = tpu.memref_slice %arg5[%dma_start3A_40, %dma_start3A_41] : memref<632x64xf32, #tpu.memory_space<hbm>> -> memref<520x64xf32, #tpu.memory_space<hbm>>
        tpu.enqueue_dma source(%dma_start3A_42 : memref<520x64xf32, #tpu.memory_space<hbm>>) target(%dma_start3A_39 : memref<520x64xf32, #tpu.memory_space<vmem_shared>>) target_semaphore(%run_scoped3A_37 : memref<!tpu.dma_semaphore, #tpu.memory_space<semaphore_mem>>)
        %dma_wait3A_43 = arith.constant 0 : i32
        %dma_wait3A_44 = tpu.memref_slice %arg11[%mul3A_2, %dma_wait3A_43] : memref<10000x64xf32, #tpu.memory_space<vmem_shared>> -> memref<520x64xf32, #tpu.memory_space<vmem_shared>>
        %dma_wait3A_45 = arith.constant 0 : i32
        %dma_wait3A_46 = arith.constant 0 : i32
        %dma_wait3A_47 = tpu.memref_slice %arg5[%dma_wait3A_45, %dma_wait3A_46] : memref<632x64xf32, #tpu.memory_space<hbm>> -> memref<520x64xf32, #tpu.memory_space<hbm>>
        tpu.wait_dma2 semaphore(%run_scoped3A_37 : memref<!tpu.dma_semaphore, #tpu.memory_space<semaphore_mem>>) src(%dma_wait3A_47 : memref<520x64xf32, #tpu.memory_space<hbm>>) dst(%dma_wait3A_44 : memref<520x64xf32, #tpu.memory_space<vmem_shared>>)
        tpu.yield
      }) : () -> ()
    } else {
    }
    "tpu.region"() ({
      %run_scoped3A_37 = tpu.sem_alloc : memref<!tpu.dma_semaphore, #tpu.memory_space<semaphore_mem>>
      %dma_start3A_38 = arith.constant 0 : i32
      %dma_start3A_39 = arith.constant 0 : i32
      %dma_start3A_40 = tpu.memref_slice %arg3[%add3A, %dma_start3A_38, %dma_start3A_39] : memref<32x125x80xi32, #tpu.memory_space<hbm>> -> memref<1x125x80xi32, #tpu.memory_space<hbm>>
      %dma_start3A_41 = tpu.memref_squeeze %dma_start3A_40 : memref<1x125x80xi32, #tpu.memory_space<hbm>> -> memref<125x80xi32, #tpu.memory_space<hbm>>
      %dma_start3A_42 = arith.constant 0 : i32
      %dma_start3A_43 = arith.constant 0 : i32
      %dma_start3A_44 = tpu.memref_slice %arg3[%add3A, %dma_start3A_42, %dma_start3A_43] : memref<32x125x80xi32, #tpu.memory_space<hbm>> -> memref<1x125x80xi32, #tpu.memory_space<hbm>>
      %dma_start3A_45 = tpu.memref_squeeze %dma_start3A_44 : memref<1x125x80xi32, #tpu.memory_space<hbm>> -> memref<125x80xi32, #tpu.memory_space<hbm>>
      tpu.enqueue_dma source(%dma_start3A_45 : memref<125x80xi32, #tpu.memory_space<hbm>>) target(%arg7 : memref<125x80xi32, #tpu.memory_space<vmem>>) target_semaphore(%run_scoped3A_37 : memref<!tpu.dma_semaphore, #tpu.memory_space<semaphore_mem>>)
      %dma_wait3A_46 = arith.constant 0 : i32
      %dma_wait3A_47 = arith.constant 0 : i32
      %dma_wait3A_48 = tpu.memref_slice %arg3[%add3A, %dma_wait3A_46, %dma_wait3A_47] : memref<32x125x80xi32, #tpu.memory_space<hbm>> -> memref<1x125x80xi32, #tpu.memory_space<hbm>>
      %dma_wait3A_49 = tpu.memref_squeeze %dma_wait3A_48 : memref<1x125x80xi32, #tpu.memory_space<hbm>> -> memref<125x80xi32, #tpu.memory_space<hbm>>
      %dma_wait3A_50 = arith.constant 0 : i32
      %dma_wait3A_51 = arith.constant 0 : i32
      %dma_wait3A_52 = tpu.memref_slice %arg3[%add3A, %dma_wait3A_50, %dma_wait3A_51] : memref<32x125x80xi32, #tpu.memory_space<hbm>> -> memref<1x125x80xi32, #tpu.memory_space<hbm>>
      %dma_wait3A_53 = tpu.memref_squeeze %dma_wait3A_52 : memref<1x125x80xi32, #tpu.memory_space<hbm>> -> memref<125x80xi32, #tpu.memory_space<hbm>>
      tpu.wait_dma2 semaphore(%run_scoped3A_37 : memref<!tpu.dma_semaphore, #tpu.memory_space<semaphore_mem>>) src(%dma_wait3A_53 : memref<125x80xi32, #tpu.memory_space<hbm>>) dst(%arg7 : memref<125x80xi32, #tpu.memory_space<vmem>>)
      tpu.yield
    }) : () -> ()
    "tpu.region"() ({
      %run_scoped3A_37 = tpu.sem_alloc : memref<!tpu.dma_semaphore, #tpu.memory_space<semaphore_mem>>
      %dma_start3A_38 = arith.constant 0 : i32
      %dma_start3A_39 = arith.constant 0 : i32
      %dma_start3A_40 = tpu.memref_slice %arg4[%add3A, %dma_start3A_38, %dma_start3A_39] : memref<32x125x80xi32, #tpu.memory_space<hbm>> -> memref<1x125x80xi32, #tpu.memory_space<hbm>>
      %dma_start3A_41 = tpu.memref_squeeze %dma_start3A_40 : memref<1x125x80xi32, #tpu.memory_space<hbm>> -> memref<125x80xi32, #tpu.memory_space<hbm>>
      %dma_start3A_42 = arith.constant 0 : i32
      %dma_start3A_43 = arith.constant 0 : i32
      %dma_start3A_44 = tpu.memref_slice %arg4[%add3A, %dma_start3A_42, %dma_start3A_43] : memref<32x125x80xi32, #tpu.memory_space<hbm>> -> memref<1x125x80xi32, #tpu.memory_space<hbm>>
      %dma_start3A_45 = tpu.memref_squeeze %dma_start3A_44 : memref<1x125x80xi32, #tpu.memory_space<hbm>> -> memref<125x80xi32, #tpu.memory_space<hbm>>
      tpu.enqueue_dma source(%dma_start3A_45 : memref<125x80xi32, #tpu.memory_space<hbm>>) target(%arg8 : memref<125x80xi32, #tpu.memory_space<vmem>>) target_semaphore(%run_scoped3A_37 : memref<!tpu.dma_semaphore, #tpu.memory_space<semaphore_mem>>)
      %dma_wait3A_46 = arith.constant 0 : i32
      %dma_wait3A_47 = arith.constant 0 : i32
      %dma_wait3A_48 = tpu.memref_slice %arg4[%add3A, %dma_wait3A_46, %dma_wait3A_47] : memref<32x125x80xi32, #tpu.memory_space<hbm>> -> memref<1x125x80xi32, #tpu.memory_space<hbm>>
      %dma_wait3A_49 = tpu.memref_squeeze %dma_wait3A_48 : memref<1x125x80xi32, #tpu.memory_space<hbm>> -> memref<125x80xi32, #tpu.memory_space<hbm>>
      %dma_wait3A_50 = arith.constant 0 : i32
      %dma_wait3A_51 = arith.constant 0 : i32
      %dma_wait3A_52 = tpu.memref_slice %arg4[%add3A, %dma_wait3A_50, %dma_wait3A_51] : memref<32x125x80xi32, #tpu.memory_space<hbm>> -> memref<1x125x80xi32, #tpu.memory_space<hbm>>
      %dma_wait3A_53 = tpu.memref_squeeze %dma_wait3A_52 : memref<1x125x80xi32, #tpu.memory_space<hbm>> -> memref<125x80xi32, #tpu.memory_space<hbm>>
      tpu.wait_dma2 semaphore(%run_scoped3A_37 : memref<!tpu.dma_semaphore, #tpu.memory_space<semaphore_mem>>) src(%dma_wait3A_53 : memref<125x80xi32, #tpu.memory_space<hbm>>) dst(%arg8 : memref<125x80xi32, #tpu.memory_space<vmem>>)
      tpu.yield
    }) : () -> ()
    %barrier3A = arith.constant 0 : index
    tpu.barrier barrier_id(%barrier3A)
    %dma_start3A = arith.constant 0 : i32
    %dma_start3A_9 = arith.constant 0 : i32
    %dma_start3A_10 = tpu.memref_slice %arg7[%dma_start3A, %dma_start3A_9] : memref<125x80xi32, #tpu.memory_space<vmem>> -> memref<1x80xi32, #tpu.memory_space<vmem>>
    %dma_start3A_11 = tpu.memref_squeeze %dma_start3A_10 : memref<1x80xi32, #tpu.memory_space<vmem>> -> memref<80xi32, #tpu.memory_space<vmem>>
    %dma_start3A_12 = arith.constant 0 : i32
    %dma_start3A_13 = arith.constant 0 : i32
    %dma_start3A_14 = tpu.memref_slice %arg2[%dma_start3A_12, %dma_start3A_13] : memref<10000x64xf32, #tpu.memory_space<hbm>> -> memref<10000x64xf32, #tpu.memory_space<hbm>>
    tpu.enqueue_indirect_dma source(%dma_start3A_14 : memref<10000x64xf32, #tpu.memory_space<hbm>>) target(%arg9 : memref<80x64xf32, #tpu.memory_space<vmem>>) offsets(%dma_start3A_11 : memref<80xi32, #tpu.memory_space<vmem>>) semaphore(%arg12 : memref<!tpu.dma_semaphore, #tpu.memory_space<semaphore_mem>>)
    %scan3A = arith.constant 0 : i32
    %scan3A_15 = arith.constant 0 : i32
    %scan3A_16 = arith.constant 62 : i32
    %scan3A_17 = arith.addi %scan3A_15, %scan3A_16 : i32
    %scan3A_18 = arith.constant 1 : i32
    scf.for %scan3A_37 = %scan3A_15 to %scan3A_17 step %scan3A_18  : i32 {
      %mul3A_38 = arith.constant 2 : i32
      %mul3A_39 = arith.muli %mul3A_38, %scan3A_37 : i32
      %add3A_40 = arith.constant 1 : i32
      %add3A_41 = arith.addi %mul3A_39, %add3A_40 : i32
      %dma_start3A_42 = arith.constant 0 : i32
      %dma_start3A_43 = tpu.memref_slice %arg7[%add3A_41, %dma_start3A_42] : memref<125x80xi32, #tpu.memory_space<vmem>> -> memref<1x80xi32, #tpu.memory_space<vmem>>
      %dma_start3A_44 = tpu.memref_squeeze %dma_start3A_43 : memref<1x80xi32, #tpu.memory_space<vmem>> -> memref<80xi32, #tpu.memory_space<vmem>>
      %dma_start3A_45 = arith.constant 0 : i32
      %dma_start3A_46 = arith.constant 0 : i32
      %dma_start3A_47 = tpu.memref_slice %arg2[%dma_start3A_45, %dma_start3A_46] : memref<10000x64xf32, #tpu.memory_space<hbm>> -> memref<10000x64xf32, #tpu.memory_space<hbm>>
      tpu.enqueue_indirect_dma source(%dma_start3A_47 : memref<10000x64xf32, #tpu.memory_space<hbm>>) target(%arg10 : memref<80x64xf32, #tpu.memory_space<vmem>>) offsets(%dma_start3A_44 : memref<80xi32, #tpu.memory_space<vmem>>) semaphore(%arg12 : memref<!tpu.dma_semaphore, #tpu.memory_space<semaphore_mem>>)
      %dma_wait3A_48 = arith.constant 0 : i32
      %dma_wait3A_49 = tpu.memref_slice %arg7[%mul3A_39, %dma_wait3A_48] : memref<125x80xi32, #tpu.memory_space<vmem>> -> memref<1x80xi32, #tpu.memory_space<vmem>>
      %dma_wait3A_50 = tpu.memref_squeeze %dma_wait3A_49 : memref<1x80xi32, #tpu.memory_space<vmem>> -> memref<80xi32, #tpu.memory_space<vmem>>
      %dma_wait3A_51 = arith.constant 0 : i32
      %dma_wait3A_52 = arith.constant 0 : i32
      %dma_wait3A_53 = tpu.memref_slice %arg2[%dma_wait3A_51, %dma_wait3A_52] : memref<10000x64xf32, #tpu.memory_space<hbm>> -> memref<10000x64xf32, #tpu.memory_space<hbm>>
      tpu.wait_indirect_dma semaphore(%arg12 : memref<!tpu.dma_semaphore, #tpu.memory_space<semaphore_mem>>) src(%dma_wait3A_53 : memref<10000x64xf32, #tpu.memory_space<hbm>>) dst(%arg9 : memref<80x64xf32, #tpu.memory_space<vmem>>)
      "tpu.region"() ({
        %run_scoped3A_70 = tpu.sem_alloc : memref<!tpu.dma_semaphore, #tpu.memory_space<semaphore_mem>>
        %dma_start3A_71 = arith.constant 0 : i32
        %dma_start3A_72 = tpu.memref_slice %arg8[%mul3A_39, %dma_start3A_71] : memref<125x80xi32, #tpu.memory_space<vmem>> -> memref<1x80xi32, #tpu.memory_space<vmem>>
        %dma_start3A_73 = tpu.memref_squeeze %dma_start3A_72 : memref<1x80xi32, #tpu.memory_space<vmem>> -> memref<80xi32, #tpu.memory_space<vmem>>
        %dma_start3A_74 = arith.constant 0 : i32
        %dma_start3A_75 = arith.constant 0 : i32
        %dma_start3A_76 = tpu.memref_slice %arg11[%dma_start3A_74, %dma_start3A_75] : memref<10000x64xf32, #tpu.memory_space<vmem_shared>> -> memref<10000x64xf32, #tpu.memory_space<vmem_shared>>
        tpu.enqueue_indirect_dma source(%arg9 : memref<80x64xf32, #tpu.memory_space<vmem>>) target(%dma_start3A_76 : memref<10000x64xf32, #tpu.memory_space<vmem_shared>>) offsets(%dma_start3A_73 : memref<80xi32, #tpu.memory_space<vmem>>) semaphore(%run_scoped3A_70 : memref<!tpu.dma_semaphore, #tpu.memory_space<semaphore_mem>>) {add = true}
        %dma_wait3A_77 = arith.constant 0 : i32
        %dma_wait3A_78 = tpu.memref_slice %arg8[%mul3A_39, %dma_wait3A_77] : memref<125x80xi32, #tpu.memory_space<vmem>> -> memref<1x80xi32, #tpu.memory_space<vmem>>
        %dma_wait3A_79 = tpu.memref_squeeze %dma_wait3A_78 : memref<1x80xi32, #tpu.memory_space<vmem>> -> memref<80xi32, #tpu.memory_space<vmem>>
        %dma_wait3A_80 = arith.constant 0 : i32
        %dma_wait3A_81 = arith.constant 0 : i32
        %dma_wait3A_82 = tpu.memref_slice %arg11[%dma_wait3A_80, %dma_wait3A_81] : memref<10000x64xf32, #tpu.memory_space<vmem_shared>> -> memref<10000x64xf32, #tpu.memory_space<vmem_shared>>
        tpu.wait_indirect_dma semaphore(%run_scoped3A_70 : memref<!tpu.dma_semaphore, #tpu.memory_space<semaphore_mem>>) src(%arg9 : memref<80x64xf32, #tpu.memory_space<vmem>>) dst(%dma_wait3A_82 : memref<10000x64xf32, #tpu.memory_space<vmem_shared>>)
        tpu.yield
      }) : () -> ()
      %add3A_54 = arith.constant 2 : i32
      %add3A_55 = arith.addi %mul3A_39, %add3A_54 : i32
      %dma_start3A_56 = arith.constant 0 : i32
      %dma_start3A_57 = tpu.memref_slice %arg7[%add3A_55, %dma_start3A_56] : memref<125x80xi32, #tpu.memory_space<vmem>> -> memref<1x80xi32, #tpu.memory_space<vmem>>
      %dma_start3A_58 = tpu.memref_squeeze %dma_start3A_57 : memref<1x80xi32, #tpu.memory_space<vmem>> -> memref<80xi32, #tpu.memory_space<vmem>>
      %dma_start3A_59 = arith.constant 0 : i32
      %dma_start3A_60 = arith.constant 0 : i32
      %dma_start3A_61 = tpu.memref_slice %arg2[%dma_start3A_59, %dma_start3A_60] : memref<10000x64xf32, #tpu.memory_space<hbm>> -> memref<10000x64xf32, #tpu.memory_space<hbm>>
      tpu.enqueue_indirect_dma source(%dma_start3A_61 : memref<10000x64xf32, #tpu.memory_space<hbm>>) target(%arg9 : memref<80x64xf32, #tpu.memory_space<vmem>>) offsets(%dma_start3A_58 : memref<80xi32, #tpu.memory_space<vmem>>) semaphore(%arg12 : memref<!tpu.dma_semaphore, #tpu.memory_space<semaphore_mem>>)
      %add3A_62 = arith.constant 1 : i32
      %add3A_63 = arith.addi %mul3A_39, %add3A_62 : i32
      %dma_wait3A_64 = arith.constant 0 : i32
      %dma_wait3A_65 = tpu.memref_slice %arg7[%add3A_63, %dma_wait3A_64] : memref<125x80xi32, #tpu.memory_space<vmem>> -> memref<1x80xi32, #tpu.memory_space<vmem>>
      %dma_wait3A_66 = tpu.memref_squeeze %dma_wait3A_65 : memref<1x80xi32, #tpu.memory_space<vmem>> -> memref<80xi32, #tpu.memory_space<vmem>>
      %dma_wait3A_67 = arith.constant 0 : i32
      %dma_wait3A_68 = arith.constant 0 : i32
      %dma_wait3A_69 = tpu.memref_slice %arg2[%dma_wait3A_67, %dma_wait3A_68] : memref<10000x64xf32, #tpu.memory_space<hbm>> -> memref<10000x64xf32, #tpu.memory_space<hbm>>
      tpu.wait_indirect_dma semaphore(%arg12 : memref<!tpu.dma_semaphore, #tpu.memory_space<semaphore_mem>>) src(%dma_wait3A_69 : memref<10000x64xf32, #tpu.memory_space<hbm>>) dst(%arg10 : memref<80x64xf32, #tpu.memory_space<vmem>>)
      "tpu.region"() ({
        %run_scoped3A_70 = tpu.sem_alloc : memref<!tpu.dma_semaphore, #tpu.memory_space<semaphore_mem>>
        %dma_start3A_71 = arith.constant 0 : i32
        %dma_start3A_72 = tpu.memref_slice %arg8[%add3A_63, %dma_start3A_71] : memref<125x80xi32, #tpu.memory_space<vmem>> -> memref<1x80xi32, #tpu.memory_space<vmem>>
        %dma_start3A_73 = tpu.memref_squeeze %dma_start3A_72 : memref<1x80xi32, #tpu.memory_space<vmem>> -> memref<80xi32, #tpu.memory_space<vmem>>
        %dma_start3A_74 = arith.constant 0 : i32
        %dma_start3A_75 = arith.constant 0 : i32
        %dma_start3A_76 = tpu.memref_slice %arg11[%dma_start3A_74, %dma_start3A_75] : memref<10000x64xf32, #tpu.memory_space<vmem_shared>> -> memref<10000x64xf32, #tpu.memory_space<vmem_shared>>
        tpu.enqueue_indirect_dma source(%arg10 : memref<80x64xf32, #tpu.memory_space<vmem>>) target(%dma_start3A_76 : memref<10000x64xf32, #tpu.memory_space<vmem_shared>>) offsets(%dma_start3A_73 : memref<80xi32, #tpu.memory_space<vmem>>) semaphore(%run_scoped3A_70 : memref<!tpu.dma_semaphore, #tpu.memory_space<semaphore_mem>>) {add = true}
        %dma_wait3A_77 = arith.constant 0 : i32
        %dma_wait3A_78 = tpu.memref_slice %arg8[%add3A_63, %dma_wait3A_77] : memref<125x80xi32, #tpu.memory_space<vmem>> -> memref<1x80xi32, #tpu.memory_space<vmem>>
        %dma_wait3A_79 = tpu.memref_squeeze %dma_wait3A_78 : memref<1x80xi32, #tpu.memory_space<vmem>> -> memref<80xi32, #tpu.memory_space<vmem>>
        %dma_wait3A_80 = arith.constant 0 : i32
        %dma_wait3A_81 = arith.constant 0 : i32
        %dma_wait3A_82 = tpu.memref_slice %arg11[%dma_wait3A_80, %dma_wait3A_81] : memref<10000x64xf32, #tpu.memory_space<vmem_shared>> -> memref<10000x64xf32, #tpu.memory_space<vmem_shared>>
        tpu.wait_indirect_dma semaphore(%run_scoped3A_70 : memref<!tpu.dma_semaphore, #tpu.memory_space<semaphore_mem>>) src(%arg10 : memref<80x64xf32, #tpu.memory_space<vmem>>) dst(%dma_wait3A_82 : memref<10000x64xf32, #tpu.memory_space<vmem_shared>>)
        tpu.yield
      }) : () -> ()
    }
    %scan3A_19 = arith.constant 62 : i32
    %dma_wait3A = arith.constant 124 : i32
    %dma_wait3A_20 = arith.constant 0 : i32
    %dma_wait3A_21 = tpu.memref_slice %arg7[%dma_wait3A, %dma_wait3A_20] : memref<125x80xi32, #tpu.memory_space<vmem>> -> memref<1x80xi32, #tpu.memory_space<vmem>>
    %dma_wait3A_22 = tpu.memref_squeeze %dma_wait3A_21 : memref<1x80xi32, #tpu.memory_space<vmem>> -> memref<80xi32, #tpu.memory_space<vmem>>
    %dma_wait3A_23 = arith.constant 0 : i32
    %dma_wait3A_24 = arith.constant 0 : i32
    %dma_wait3A_25 = tpu.memref_slice %arg2[%dma_wait3A_23, %dma_wait3A_24] : memref<10000x64xf32, #tpu.memory_space<hbm>> -> memref<10000x64xf32, #tpu.memory_space<hbm>>
    tpu.wait_indirect_dma semaphore(%arg12 : memref<!tpu.dma_semaphore, #tpu.memory_space<semaphore_mem>>) src(%dma_wait3A_25 : memref<10000x64xf32, #tpu.memory_space<hbm>>) dst(%arg9 : memref<80x64xf32, #tpu.memory_space<vmem>>)
    %run_scoped3A = arith.constant 124 : i32
    "tpu.region"() ({
      %run_scoped3A_37 = tpu.sem_alloc : memref<!tpu.dma_semaphore, #tpu.memory_space<semaphore_mem>>
      %dma_start3A_38 = arith.constant 0 : i32
      %dma_start3A_39 = tpu.memref_slice %arg8[%run_scoped3A, %dma_start3A_38] : memref<125x80xi32, #tpu.memory_space<vmem>> -> memref<1x80xi32, #tpu.memory_space<vmem>>
      %dma_start3A_40 = tpu.memref_squeeze %dma_start3A_39 : memref<1x80xi32, #tpu.memory_space<vmem>> -> memref<80xi32, #tpu.memory_space<vmem>>
      %dma_start3A_41 = arith.constant 0 : i32
      %dma_start3A_42 = arith.constant 0 : i32
      %dma_start3A_43 = tpu.memref_slice %arg11[%dma_start3A_41, %dma_start3A_42] : memref<10000x64xf32, #tpu.memory_space<vmem_shared>> -> memref<10000x64xf32, #tpu.memory_space<vmem_shared>>
      tpu.enqueue_indirect_dma source(%arg9 : memref<80x64xf32, #tpu.memory_space<vmem>>) target(%dma_start3A_43 : memref<10000x64xf32, #tpu.memory_space<vmem_shared>>) offsets(%dma_start3A_40 : memref<80xi32, #tpu.memory_space<vmem>>) semaphore(%run_scoped3A_37 : memref<!tpu.dma_semaphore, #tpu.memory_space<semaphore_mem>>) {add = true}
      %dma_wait3A_44 = arith.constant 0 : i32
      %dma_wait3A_45 = tpu.memref_slice %arg8[%run_scoped3A, %dma_wait3A_44] : memref<125x80xi32, #tpu.memory_space<vmem>> -> memref<1x80xi32, #tpu.memory_space<vmem>>
      %dma_wait3A_46 = tpu.memref_squeeze %dma_wait3A_45 : memref<1x80xi32, #tpu.memory_space<vmem>> -> memref<80xi32, #tpu.memory_space<vmem>>
      %dma_wait3A_47 = arith.constant 0 : i32
      %dma_wait3A_48 = arith.constant 0 : i32
      %dma_wait3A_49 = tpu.memref_slice %arg11[%dma_wait3A_47, %dma_wait3A_48] : memref<10000x64xf32, #tpu.memory_space<vmem_shared>> -> memref<10000x64xf32, #tpu.memory_space<vmem_shared>>
      tpu.wait_indirect_dma semaphore(%run_scoped3A_37 : memref<!tpu.dma_semaphore, #tpu.memory_space<semaphore_mem>>) src(%arg9 : memref<80x64xf32, #tpu.memory_space<vmem>>) dst(%dma_wait3A_49 : memref<10000x64xf32, #tpu.memory_space<vmem_shared>>)
      tpu.yield
    }) : () -> ()
    %barrier3A_26 = arith.constant 0 : index
    tpu.barrier barrier_id(%barrier3A_26)
    %lt3A_27 = arith.constant 15 : i32
    %lt3A_28 = arith.cmpi slt, %arg1, %lt3A_27 : i32
    %convert_element_type3A_29 = arith.extui %lt3A_28 : i1 to i32
    %cond3A_30 = arith.constant 0 : i32
    %cond3A_31 = arith.cmpi ne, %convert_element_type3A_29, %cond3A_30 : i32
    scf.if %cond3A_31 {
      "tpu.region"() ({
        %run_scoped3A_37 = tpu.sem_alloc : memref<!tpu.dma_semaphore, #tpu.memory_space<semaphore_mem>>
        %dma_start3A_38 = arith.constant 0 : i32
        %dma_start3A_39 = tpu.memref_slice %arg6[%arg0, %mul3A_2, %dma_start3A_38] : memref<2x10000x64xf32, #tpu.memory_space<hbm>> -> memref<1x632x64xf32, #tpu.memory_space<hbm>>
        %dma_start3A_40 = tpu.memref_squeeze %dma_start3A_39 : memref<1x632x64xf32, #tpu.memory_space<hbm>> -> memref<632x64xf32, #tpu.memory_space<hbm>>
        %dma_start3A_41 = arith.constant 0 : i32
        %dma_start3A_42 = tpu.memref_slice %arg11[%mul3A_2, %dma_start3A_41] : memref<10000x64xf32, #tpu.memory_space<vmem_shared>> -> memref<632x64xf32, #tpu.memory_space<vmem_shared>>
        tpu.enqueue_dma source(%dma_start3A_42 : memref<632x64xf32, #tpu.memory_space<vmem_shared>>) target(%dma_start3A_40 : memref<632x64xf32, #tpu.memory_space<hbm>>) target_semaphore(%run_scoped3A_37 : memref<!tpu.dma_semaphore, #tpu.memory_space<semaphore_mem>>)
        %dma_wait3A_43 = arith.constant 0 : i32
        %dma_wait3A_44 = tpu.memref_slice %arg6[%arg0, %mul3A_2, %dma_wait3A_43] : memref<2x10000x64xf32, #tpu.memory_space<hbm>> -> memref<1x632x64xf32, #tpu.memory_space<hbm>>
        %dma_wait3A_45 = tpu.memref_squeeze %dma_wait3A_44 : memref<1x632x64xf32, #tpu.memory_space<hbm>> -> memref<632x64xf32, #tpu.memory_space<hbm>>
        %dma_wait3A_46 = arith.constant 0 : i32
        %dma_wait3A_47 = tpu.memref_slice %arg11[%mul3A_2, %dma_wait3A_46] : memref<10000x64xf32, #tpu.memory_space<vmem_shared>> -> memref<632x64xf32, #tpu.memory_space<vmem_shared>>
        tpu.wait_dma2 semaphore(%run_scoped3A_37 : memref<!tpu.dma_semaphore, #tpu.memory_space<semaphore_mem>>) src(%dma_wait3A_47 : memref<632x64xf32, #tpu.memory_space<vmem_shared>>) dst(%dma_wait3A_45 : memref<632x64xf32, #tpu.memory_space<hbm>>)
        tpu.yield
      }) : () -> ()
    } else {
    }
    %eq3A_32 = arith.constant 15 : i32
    %eq3A_33 = arith.cmpi eq, %arg1, %eq3A_32 : i32
    %convert_element_type3A_34 = arith.extui %eq3A_33 : i1 to i32
    %cond3A_35 = arith.constant 0 : i32
    %cond3A_36 = arith.cmpi ne, %convert_element_type3A_34, %cond3A_35 : i32
    scf.if %cond3A_36 {
      "tpu.region"() ({
        %run_scoped3A_37 = tpu.sem_alloc : memref<!tpu.dma_semaphore, #tpu.memory_space<semaphore_mem>>
        %dma_start3A_38 = arith.constant 0 : i32
        %dma_start3A_39 = tpu.memref_slice %arg6[%arg0, %mul3A_2, %dma_start3A_38] : memref<2x10000x64xf32, #tpu.memory_space<hbm>> -> memref<1x520x64xf32, #tpu.memory_space<hbm>>
        %dma_start3A_40 = tpu.memref_squeeze %dma_start3A_39 : memref<1x520x64xf32, #tpu.memory_space<hbm>> -> memref<520x64xf32, #tpu.memory_space<hbm>>
        %dma_start3A_41 = arith.constant 0 : i32
        %dma_start3A_42 = tpu.memref_slice %arg11[%mul3A_2, %dma_start3A_41] : memref<10000x64xf32, #tpu.memory_space<vmem_shared>> -> memref<520x64xf32, #tpu.memory_space<vmem_shared>>
        tpu.enqueue_dma source(%dma_start3A_42 : memref<520x64xf32, #tpu.memory_space<vmem_shared>>) target(%dma_start3A_40 : memref<520x64xf32, #tpu.memory_space<hbm>>) target_semaphore(%run_scoped3A_37 : memref<!tpu.dma_semaphore, #tpu.memory_space<semaphore_mem>>)
        %dma_wait3A_43 = arith.constant 0 : i32
        %dma_wait3A_44 = tpu.memref_slice %arg6[%arg0, %mul3A_2, %dma_wait3A_43] : memref<2x10000x64xf32, #tpu.memory_space<hbm>> -> memref<1x520x64xf32, #tpu.memory_space<hbm>>
        %dma_wait3A_45 = tpu.memref_squeeze %dma_wait3A_44 : memref<1x520x64xf32, #tpu.memory_space<hbm>> -> memref<520x64xf32, #tpu.memory_space<hbm>>
        %dma_wait3A_46 = arith.constant 0 : i32
        %dma_wait3A_47 = tpu.memref_slice %arg11[%mul3A_2, %dma_wait3A_46] : memref<10000x64xf32, #tpu.memory_space<vmem_shared>> -> memref<520x64xf32, #tpu.memory_space<vmem_shared>>
        tpu.wait_dma2 semaphore(%run_scoped3A_37 : memref<!tpu.dma_semaphore, #tpu.memory_space<semaphore_mem>>) src(%dma_wait3A_47 : memref<520x64xf32, #tpu.memory_space<vmem_shared>>) dst(%dma_wait3A_45 : memref<520x64xf32, #tpu.memory_space<hbm>>)
        tpu.yield
      }) : () -> ()
    } else {
    }
    return
  }
}

module attributes {stable_mosaic.version = 14 : i64} {
  func.func @_tc1_body(%arg0: memref<10000x128xf32, #tpu.memory_space<vmem>>, %arg1: memref<128x128xf32, #tpu.memory_space<vmem>>, %arg2: memref<10000x64xf32, #tpu.memory_space<vmem>>, %arg3: memref<10000x64xf32, #tpu.memory_space<vmem>>) attributes {dimension_semantics = [], scalar_prefetch = 0 : i64, scratch_operands = 0 : i64, tpu.core_type = #tpu.core_type<tc>} {
    %get3A = arith.constant 0 : index
    %get3A_0 = arith.constant 0 : index
    %get3A_1 = vector.load %arg0[%get3A, %get3A_0] : memref<10000x128xf32, #tpu.memory_space<vmem>>, vector<10000x128xf32>
    %get3A_2 = arith.constant 0 : index
    %get3A_3 = arith.constant 0 : index
    %get3A_4 = vector.load %arg1[%get3A_2, %get3A_3] : memref<128x128xf32, #tpu.memory_space<vmem>>, vector<128x128xf32>
    %dot_general3A = arith.constant dense<0.000000e+00> : vector<10000x128xf32>
    %dot_general3A_5 = tpu.matmul %get3A_1, %get3A_4, %dot_general3A {dimension_numbers = #tpu.dot_dimension_numbers<[1], [0], [0], [1], [0, 0, 1, 1], [], []>, transpose_lhs_hint = false} : vector<10000x128xf32>, vector<128x128xf32>, vector<10000x128xf32> -> vector<10000x128xf32>
    %slice3A = vector.extract_strided_slice %dot_general3A_5 {offsets = [0, 0], sizes = [10000, 64], strides = [1, 1]} : vector<10000x128xf32> to vector<10000x64xf32>
    %swap3A = arith.constant 0 : index
    %swap3A_6 = arith.constant 0 : index
    %swap3A_7 = vector.load %arg2[%swap3A, %swap3A_6] : memref<10000x64xf32, #tpu.memory_space<vmem>>, vector<10000x64xf32>
    tpu.vector_store %arg2[%swap3A, %swap3A_6], %slice3A {strides = array<i32>} : memref<10000x64xf32, #tpu.memory_space<vmem>>, vector<10000x64xf32>,
    %slice3A_8 = vector.extract_strided_slice %dot_general3A_5 {offsets = [0, 64], sizes = [10000, 64], strides = [1, 1]} : vector<10000x128xf32> to vector<10000x64xf32>
    %swap3A_9 = arith.constant 0 : index
    %swap3A_10 = arith.constant 0 : index
    %swap3A_11 = vector.load %arg3[%swap3A_9, %swap3A_10] : memref<10000x64xf32, #tpu.memory_space<vmem>>, vector<10000x64xf32>
    tpu.vector_store %arg3[%swap3A_9, %swap3A_10], %slice3A_8 {strides = array<i32>} : memref<10000x64xf32, #tpu.memory_space<vmem>>, vector<10000x64xf32>,
    return
  }
}

module attributes {stable_mosaic.version = 14 : i64} {
  func.func @_tc2_body(%arg0: memref<2x10000x64xf32, #tpu.memory_space<vmem>>, %arg1: memref<2x10000x16xf32, #tpu.memory_space<vmem>>, %arg2: memref<10000x64xf32, #tpu.memory_space<vmem>>, %arg3: memref<1x64xf32, #tpu.memory_space<vmem>>, %arg4: memref<64x128xf32, #tpu.memory_space<vmem>>, %arg5: memref<10000x64xf32, #tpu.memory_space<vmem>>, %arg6: memref<10000x64xf32, #tpu.memory_space<vmem>>) attributes {dimension_semantics = [], scalar_prefetch = 0 : i64, scratch_operands = 0 : i64, tpu.core_type = #tpu.core_type<tc>} {
    %get3A = arith.constant 0 : index
    %get3A_0 = arith.constant 0 : index
    %get3A_1 = arith.constant 0 : index
    %get3A_2 = vector.load %arg0[%get3A, %get3A_0, %get3A_1] : memref<2x10000x64xf32, #tpu.memory_space<vmem>>, vector<1x10000x64xf32>
    %get3A_3 = vector.shape_cast %get3A_2 : vector<1x10000x64xf32> to vector<10000x64xf32>
    %get3A_4 = arith.constant 1 : index
    %get3A_5 = arith.constant 0 : index
    %get3A_6 = arith.constant 0 : index
    %get3A_7 = vector.load %arg0[%get3A_4, %get3A_5, %get3A_6] : memref<2x10000x64xf32, #tpu.memory_space<vmem>>, vector<1x10000x64xf32>
    %get3A_8 = vector.shape_cast %get3A_7 : vector<1x10000x64xf32> to vector<10000x64xf32>
    %add3A = arith.addf %get3A_3, %get3A_8 : vector<10000x64xf32>
    %get3A_9 = arith.constant 0 : index
    %get3A_10 = arith.constant 0 : index
    %get3A_11 = arith.constant 0 : index
    %get3A_12 = vector.load %arg1[%get3A_9, %get3A_10, %get3A_11] : memref<2x10000x16xf32, #tpu.memory_space<vmem>>, vector<1x10000x1xf32>
    %get3A_13 = vector.shape_cast %get3A_12 : vector<1x10000x1xf32> to vector<10000x1xf32>
    %get3A_14 = arith.constant 1 : index
    %get3A_15 = arith.constant 0 : index
    %get3A_16 = arith.constant 0 : index
    %get3A_17 = vector.load %arg1[%get3A_14, %get3A_15, %get3A_16] : memref<2x10000x16xf32, #tpu.memory_space<vmem>>, vector<1x10000x1xf32>
    %get3A_18 = vector.shape_cast %get3A_17 : vector<1x10000x1xf32> to vector<10000x1xf32>
    %add3A_19 = arith.addf %get3A_13, %get3A_18 : vector<10000x1xf32>
    %max3A = arith.constant 1.000000e+00 : f32
    %max3A_20 = vector.broadcast %max3A : f32 to vector<10000x1xf32>
    %max3A_21 = arith.maximumf %add3A_19, %max3A_20 : vector<10000x1xf32>
    %div3A = vector.broadcast %max3A_21 : vector<10000x1xf32> to vector<10000x64xf32>
    %div3A_22 = arith.divf %add3A, %div3A : vector<10000x64xf32>
    %get3A_23 = arith.constant 0 : index
    %get3A_24 = arith.constant 0 : index
    %get3A_25 = vector.load %arg3[%get3A_23, %get3A_24] : memref<1x64xf32, #tpu.memory_space<vmem>>, vector<1x64xf32>
    %add3A_26 = vector.broadcast %get3A_25 : vector<1x64xf32> to vector<10000x64xf32>
    %add3A_27 = arith.addf %div3A_22, %add3A_26 : vector<10000x64xf32>
    %get3A_28 = arith.constant 0 : index
    %get3A_29 = arith.constant 0 : index
    %get3A_30 = vector.load %arg2[%get3A_28, %get3A_29] : memref<10000x64xf32, #tpu.memory_space<vmem>>, vector<10000x64xf32>
    %add3A_31 = arith.addf %add3A_27, %get3A_30 : vector<10000x64xf32>
    %reduce_sum3A = arith.constant dense<0.000000e+00> : vector<64xf32>
    %reduce_sum3A_32 = vector.multi_reduction <add>, %add3A_31, %reduce_sum3A [0] : vector<10000x64xf32> to vector<64xf32>
    %broadcast_in_dim3A = vector.shape_cast %reduce_sum3A_32 : vector<64xf32> to vector<1x64xf32>
    %div3A_33 = arith.constant 1.000000e+04 : f32
    %div3A_34 = vector.broadcast %div3A_33 : f32 to vector<1x64xf32>
    %div3A_35 = arith.divf %broadcast_in_dim3A, %div3A_34 : vector<1x64xf32>
    %mul3A = arith.mulf %add3A_31, %add3A_31 : vector<10000x64xf32>
    %reduce_sum3A_36 = arith.constant dense<0.000000e+00> : vector<10000xf32>
    %reduce_sum3A_37 = vector.multi_reduction <add>, %mul3A, %reduce_sum3A_36 [1] : vector<10000x64xf32> to vector<10000xf32>
    %broadcast_in_dim3A_38 = vector.shape_cast %reduce_sum3A_37 : vector<10000xf32> to vector<10000x1xf32>
    %add3A_39 = arith.constant 9.99999997E-7 : f32
    %add3A_40 = vector.broadcast %add3A_39 : f32 to vector<10000x1xf32>
    %add3A_41 = arith.addf %add3A_40, %broadcast_in_dim3A_38 : vector<10000x1xf32>
    %sqrt3A = math.sqrt %add3A_41 : vector<10000x1xf32>
    %div3A_42 = vector.broadcast %sqrt3A : vector<10000x1xf32> to vector<10000x64xf32>
    %div3A_43 = arith.divf %add3A_31, %div3A_42 : vector<10000x64xf32>
    %sub3A = vector.broadcast %div3A_35 : vector<1x64xf32> to vector<10000x64xf32>
    %sub3A_44 = arith.subf %div3A_43, %sub3A : vector<10000x64xf32>
    %max3A_45 = arith.constant 0.000000e+00 : f32
    %max3A_46 = vector.broadcast %max3A_45 : f32 to vector<10000x64xf32>
    %max3A_47 = arith.maximumf %sub3A_44, %max3A_46 : vector<10000x64xf32>
    %get3A_48 = arith.constant 0 : index
    %get3A_49 = arith.constant 0 : index
    %get3A_50 = vector.load %arg4[%get3A_48, %get3A_49] : memref<64x128xf32, #tpu.memory_space<vmem>>, vector<64x128xf32>
    %dot_general3A = arith.constant dense<0.000000e+00> : vector<10000x128xf32>
    %dot_general3A_51 = tpu.matmul %max3A_47, %get3A_50, %dot_general3A {dimension_numbers = #tpu.dot_dimension_numbers<[1], [0], [0], [1], [0, 0, 1, 1], [], []>, transpose_lhs_hint = false} : vector<10000x64xf32>, vector<64x128xf32>, vector<10000x128xf32> -> vector<10000x128xf32>
    %slice3A = vector.extract_strided_slice %dot_general3A_51 {offsets = [0, 0], sizes = [10000, 64], strides = [1, 1]} : vector<10000x128xf32> to vector<10000x64xf32>
    %swap3A = arith.constant 0 : index
    %swap3A_52 = arith.constant 0 : index
    %swap3A_53 = vector.load %arg5[%swap3A, %swap3A_52] : memref<10000x64xf32, #tpu.memory_space<vmem>>, vector<10000x64xf32>
    tpu.vector_store %arg5[%swap3A, %swap3A_52], %slice3A {strides = array<i32>} : memref<10000x64xf32, #tpu.memory_space<vmem>>, vector<10000x64xf32>,
    %slice3A_54 = vector.extract_strided_slice %dot_general3A_51 {offsets = [0, 64], sizes = [10000, 64], strides = [1, 1]} : vector<10000x128xf32> to vector<10000x64xf32>
    %swap3A_55 = arith.constant 0 : index
    %swap3A_56 = arith.constant 0 : index
    %swap3A_57 = vector.load %arg6[%swap3A_55, %swap3A_56] : memref<10000x64xf32, #tpu.memory_space<vmem>>, vector<10000x64xf32>
    tpu.vector_store %arg6[%swap3A_55, %swap3A_56], %slice3A_54 {strides = array<i32>} : memref<10000x64xf32, #tpu.memory_space<vmem>>, vector<10000x64xf32>,
    return
  }
}

module attributes {stable_mosaic.version = 14 : i64} {
  func.func @_tc3_body(%arg0: memref<2x10000x64xf32, #tpu.memory_space<vmem>>, %arg1: memref<2x10000x16xf32, #tpu.memory_space<vmem>>, %arg2: memref<10000x64xf32, #tpu.memory_space<vmem>>, %arg3: memref<1x64xf32, #tpu.memory_space<vmem>>, %arg4: memref<10000x64xf32, #tpu.memory_space<vmem>>) attributes {dimension_semantics = [], scalar_prefetch = 0 : i64, scratch_operands = 0 : i64, tpu.core_type = #tpu.core_type<tc>} {
    %get3A = arith.constant 0 : index
    %get3A_0 = arith.constant 0 : index
    %get3A_1 = arith.constant 0 : index
    %get3A_2 = vector.load %arg0[%get3A, %get3A_0, %get3A_1] : memref<2x10000x64xf32, #tpu.memory_space<vmem>>, vector<1x10000x64xf32>
    %get3A_3 = vector.shape_cast %get3A_2 : vector<1x10000x64xf32> to vector<10000x64xf32>
    %get3A_4 = arith.constant 1 : index
    %get3A_5 = arith.constant 0 : index
    %get3A_6 = arith.constant 0 : index
    %get3A_7 = vector.load %arg0[%get3A_4, %get3A_5, %get3A_6] : memref<2x10000x64xf32, #tpu.memory_space<vmem>>, vector<1x10000x64xf32>
    %get3A_8 = vector.shape_cast %get3A_7 : vector<1x10000x64xf32> to vector<10000x64xf32>
    %add3A = arith.addf %get3A_3, %get3A_8 : vector<10000x64xf32>
    %get3A_9 = arith.constant 0 : index
    %get3A_10 = arith.constant 0 : index
    %get3A_11 = arith.constant 0 : index
    %get3A_12 = vector.load %arg1[%get3A_9, %get3A_10, %get3A_11] : memref<2x10000x16xf32, #tpu.memory_space<vmem>>, vector<1x10000x1xf32>
    %get3A_13 = vector.shape_cast %get3A_12 : vector<1x10000x1xf32> to vector<10000x1xf32>
    %get3A_14 = arith.constant 1 : index
    %get3A_15 = arith.constant 0 : index
    %get3A_16 = arith.constant 0 : index
    %get3A_17 = vector.load %arg1[%get3A_14, %get3A_15, %get3A_16] : memref<2x10000x16xf32, #tpu.memory_space<vmem>>, vector<1x10000x1xf32>
    %get3A_18 = vector.shape_cast %get3A_17 : vector<1x10000x1xf32> to vector<10000x1xf32>
    %add3A_19 = arith.addf %get3A_13, %get3A_18 : vector<10000x1xf32>
    %max3A = arith.constant 1.000000e+00 : f32
    %max3A_20 = vector.broadcast %max3A : f32 to vector<10000x1xf32>
    %max3A_21 = arith.maximumf %add3A_19, %max3A_20 : vector<10000x1xf32>
    %div3A = vector.broadcast %max3A_21 : vector<10000x1xf32> to vector<10000x64xf32>
    %div3A_22 = arith.divf %add3A, %div3A : vector<10000x64xf32>
    %get3A_23 = arith.constant 0 : index
    %get3A_24 = arith.constant 0 : index
    %get3A_25 = vector.load %arg3[%get3A_23, %get3A_24] : memref<1x64xf32, #tpu.memory_space<vmem>>, vector<1x64xf32>
    %add3A_26 = vector.broadcast %get3A_25 : vector<1x64xf32> to vector<10000x64xf32>
    %add3A_27 = arith.addf %div3A_22, %add3A_26 : vector<10000x64xf32>
    %get3A_28 = arith.constant 0 : index
    %get3A_29 = arith.constant 0 : index
    %get3A_30 = vector.load %arg2[%get3A_28, %get3A_29] : memref<10000x64xf32, #tpu.memory_space<vmem>>, vector<10000x64xf32>
    %add3A_31 = arith.addf %add3A_27, %get3A_30 : vector<10000x64xf32>
    %swap3A = arith.constant 0 : index
    %swap3A_32 = arith.constant 0 : index
    %swap3A_33 = vector.load %arg4[%swap3A, %swap3A_32] : memref<10000x64xf32, #tpu.memory_space<vmem>>, vector<10000x64xf32>
    tpu.vector_store %arg4[%swap3A, %swap3A_32], %add3A_31 {strides = array<i32>} : memref<10000x64xf32, #tpu.memory_space<vmem>>, vector<10000x64xf32>,
    return
  }
}

</mosaic_0001>

<sc_bundles>
// kernel: kernel.10.cloned.1.call-start
scs
__scs_entry_jumppad:
0x0: {  	(pc) =	sbr.rel $0x88, $3  }
0x1: {  	(tag) =	ssettag $0x0;
	lr =	simm.s32 $0x1  }
0x2: {  	[smem:$0x3F99] =	sst lr;
	_ =	strace $0xD0000000  }
0x3: {  	_ = 	snop  }
0x4: {  	_ = 	snop  }
0x5: {  	_ = 	snop  }
0x6: {  	_ = 	snop  }
0x7: {  	_ = 	snop  }
__scs_overlays_trampoline_lowered:
0x8: {  	[smem:$0x3FA8] =	sst s0  }
0x9: {  	[smem:$0x3FA9] =	sst s1  }
0xa: {  	[smem:$0x3FAA] =	sst s2  }
0xb: {  	[smem:$0x3FAB] =	sst s3  }
0xc: {  	[smem:$0x3FAC] =	sst s4  }
0xd: {  	[smem:$0x3FAD] =	sst s5  }
0xe: {  	[smem:$0x3FAE] =	sst s6  }
0xf: {  	[smem:$0x3FAF] =	sst s7  }
0x10: {  	[smem:$0x3FB0] =	sst s8  }
0x11: {  	[smem:$0x3FB1] =	sst s9;
	s0 =	simm.s32 @!p0 $0x0  }
0x12: {  	s1 =	sld [smem:$0x3F97];
	s0 =	simm.s32 @p0 $0x1  }
0x13: {  	[smem:$0x3FB2] =	sst s0;
	s0 =	simm.s32 @!p1 $0x0  }
0x14: {  	s2 =	sld [smem:$0x3F96];
	s0 =	simm.s32 @p1 $0x1  }
0x15: {  	[smem:$0x3FB3] =	sst s0;
	s0 =	simm.s32 @!p2 $0x0  }
0x16: {  	s3 =	sld [smem:$0x3FDB];
	s0 =	simm.s32 @p2 $0x1  }
0x17: {  	s4 =	simm.s32 $0x1BF5;
	[smem:$0x3FB5] =	sst s0  }
0x18: {  	s0 =	sld [smem:$0x3F98];
	_ =	swait.ge [sflag:s4], $0x0  }
0x19: {  	s7 =	sld [smem:$0x3F99]  }
0x1a: {  	s8 =	sadd.s32 $0xFFFFE003, lr  }
0x1b: {  	s9 =	sadd.s32 $0xFFFFFEF7, lr;
	s5 =	simm.s32 $0xFFFFFFFF;
	p2 =	slt.u32 s8, $0xFFFFF086  }
0x1c: {  	p1 =	slt.u32 s9, $0xF7A;
	s5 =	simm.s32 @!p2 $0x0  }
0x1d: {  	s5 =	simm.s32 @p1 $0x1;
	p0 =	seq.s32 s7, s2  }
0x1e: {  	s7 =	smul.u32 @!p0 $0xF7A, s2;
	p2 =	seq.s32 @!p0 s5, $0x0  }
0x1f: {  	s9 =	smul.u32 $0xF7A, s1;
	s8 =	simm.s32 @!p0 $0x1BF5;
	p2 =	por !p2, p0  }
0x20: {  	[sflag:s8] =	ssyncset.s32 @!p0 $0xFFFFF086;
	s6 =	sadd.s32 @!p0 s3, s7;
	s7 =	simm.s32 @!p0 $0x108  }
0x21: {  	s3 =	sadd.s32 s3, s9;
	s6 =	sadd.s32 @!p0 $0x88, s6;
	s7 =	simm.s32 @p2 $0x1082  }
0x22: {  	[simem:s7], [sflag:s8] =	dma.local @!p0 [hbm:s6], $0xF7A  }
0x23: {  	s9 =	sor.u32 $0xD0000000, s2;
	s6 =	simm.s32 $0x108;
	_ =	swait.ge @!p0 [sflag:s8], $0x0  }
0x24: {  	s3 =	sadd.s32 $0x88, s3;
	s6 =	simm.s32 @!p1 $0x1082;
	[sflag:s4] =	ssyncset.s32 $0xFFFFF086  }
0x25: {  	[simem:s6], [sflag:s4] =	dma.local [hbm:s3], $0xF7A  }
0x26: {  	[smem:$0x3F99] =	sst s1;
	(tag) =	ssettag s2;
	_ =	strace s9  }
0x27: {  	s1 =	sld [smem:$0x3FA9]  }
0x28: {  	s2 =	sld [smem:$0x3FAA]  }
0x29: {  	s4 =	sld [smem:$0x3FAC]  }
0x2a: {  	p0 =	seq.s32 s5, $0x0;
	s5 =	sld [smem:$0x3FAD]  }
0x2b: {  	s6 =	sld [smem:$0x3FAE]  }
0x2c: {  	s7 =	sld [smem:$0x3FAF]  }
0x2d: {  	s3 =	simm.s32 $0x108;
	s8 =	sld [smem:$0x3FB0]  }
0x2e: {  	s3 =	simm.s32 @!p0 $0x1082;
	s9 =	sld [smem:$0x3FB1]  }
0x2f: {  	lr =	sadd.s32 s0, s3;
	s0 =	sld [smem:$0x3FA8]  }
0x30: {  	s3 =	sld [smem:$0x3FAB]  }
0x31: {  	[smem:$0x3FB4] =	sst s10  }
0x32: {  	s10 =	sld [smem:$0x3FB2];
	_ =	sdelay $0x3  }
0x33: {  	p0 =	seq.s32 s10, $0x1;
	s10 =	sld [smem:$0x3FB4];
	_ =	sdelay $0x3  }
0x34: {  	[smem:$0x3FB4] =	sst s10  }
0x35: {  	s10 =	sld [smem:$0x3FB3];
	_ =	sdelay $0x3  }
0x36: {  	p1 =	seq.s32 s10, $0x1;
	s10 =	sld [smem:$0x3FB4];
	_ =	sdelay $0x3  }
0x37: {  	[smem:$0x3FB4] =	sst s10  }
0x38: {  	s10 =	sld [smem:$0x3FB5]  }
0x39: {  	_ = 	snop;
	(pc) =	sbr.ind lr, $3  }
0x3a: {  	_ = 	snop  }
0x3b: {  	_ = 	snop  }
0x3c: {  	p2 =	seq.s32 s10, $0x1;
	s10 =	sld [smem:$0x3FB4]  }
0x3d: {  	_ =	shalt  }
0x3e: {  	_ =	shalt  }
0x3f: {  	_ =	shalt  }
0x40: {  	_ =	shalt  }
0x41: {  	_ =	shalt  }
0x42: {  	_ =	shalt  }
0x43: {  	_ =	shalt  }
0x44: {  	_ =	shalt  }
0x45: {  	_ =	shalt  }
0x46: {  	_ =	shalt  }
0x47: {  	_ =	shalt  }
0x48: {  	_ =	shalt  }
0x49: {  	_ =	shalt  }
0x4a: {  	_ =	shalt  }
0x4b: {  	_ =	shalt  }
0x4c: {  	_ =	shalt  }
0x4d: {  	_ =	shalt  }
0x4e: {  	_ =	shalt  }
0x4f: {  	_ =	shalt  }
0x50: {  	_ =	shalt  }
0x51: {  	_ =	shalt  }
0x52: {  	_ =	shalt  }
0x53: {  	_ =	shalt  }
0x54: {  	_ =	shalt  }
0x55: {  	_ =	shalt  }
0x56: {  	_ =	shalt  }
0x57: {  	_ =	shalt  }
0x58: {  	_ =	shalt  }
0x59: {  	_ =	shalt  }
0x5a: {  	_ =	shalt  }
0x5b: {  	_ =	shalt  }
0x5c: {  	_ =	shalt  }
0x5d: {  	_ =	shalt  }
0x5e: {  	_ =	shalt  }
0x5f: {  	_ =	shalt  }
0x60: {  	_ =	shalt  }
0x61: {  	_ =	shalt  }
0x62: {  	_ =	shalt  }
0x63: {  	_ =	shalt  }
0x64: {  	_ =	shalt  }
0x65: {  	_ =	shalt  }
0x66: {  	_ =	shalt  }
0x67: {  	_ =	shalt  }
0x68: {  	_ =	shalt  }
0x69: {  	_ =	shalt  }
0x6a: {  	_ =	shalt  }
0x6b: {  	_ =	shalt  }
0x6c: {  	_ =	shalt  }
0x6d: {  	_ =	shalt  }
0x6e: {  	_ =	shalt  }
0x6f: {  	_ =	shalt  }
0x70: {  	_ =	shalt  }
0x71: {  	_ =	shalt  }
0x72: {  	_ =	shalt  }
0x73: {  	_ =	shalt  }
0x74: {  	_ =	shalt  }
0x75: {  	_ =	shalt  }
0x76: {  	_ =	shalt  }
0x77: {  	_ =	shalt  }
0x78: {  	_ =	shalt  }
0x79: {  	_ =	shalt  }
0x7a: {  	_ =	shalt  }
0x7b: {  	_ =	shalt  }
0x7c: {  	_ =	shalt  }
0x7d: {  	_ =	shalt  }
0x7e: {  	_ =	shalt  }
0x7f: {  	_ =	shalt  }
0x80: {  	_ =	shalt  }
0x81: {  	_ =	shalt  }
0x82: {  	_ =	shalt  }
0x83: {  	_ =	shalt  }
0x84: {  	_ =	shalt  }
0x85: {  	_ =	shalt  }
0x86: {  	_ =	shalt  }
0x87: {  	_ =	shalt  }
.Lfunc_end0:
.L_simem_size_0:
called_computation.1_lowered:
.L_overlay_start_0:
0x88: {  	s2 =	sld [smem:$0x3FD9]  }
0x89: {  	s3 =	sld [smem:$0x3FFE];
	_ =	sdelay $0x1  }
0x8a: {  	s1 =	srdreg.scid  }
0x8b: {  	s0 =	sand.u32 $0x1, s1  }
0x8c: {  	s17 =	sshll.u32 s0, $0xA;
	s2 =	sadd.s32 s3, s2  }
0x8d: {  	s2 =	sadd.s32 s2, s17  }
0x8e: {  	[smem:$0x3FC0] =	sst s2  }
0x8f: {  	_ = 	snop  }
0x90: {  	s2 =	sld [smem:$0x3FD0];
	(tm) =	ssettm $0x1  }
0x91: {  	s18 =	sld [smem:$0x3FFB];
	_ =	sdelay $0x3  }
0x92: {  	_ =	strace s18  }
0x93: {  	s3 =	sld [smem:$0x3FFC];
	_ =	sdelay $0x3  }
0x94: {  	_ =	strace s3  }
0x95: {  	s3 =	sld [smem:$0x3FFD];
	_ =	sdelay $0x3  }
0x96: {  	_ =	strace s3  }
0x97: {  	_ =	strace $0x8FFFFFFF  }
0x98: {  	s19 =	sld [smem:$0x3FDB];
	_ =	sdelay $0x1  }
0x99: {  	s4 =	simm.s32 $_scs_section_size  }
0x9a: {  	s5 =	simm.s32 $_size__tile_overlayer_lowered;
	s6 =	simm.s32 $_tile_overlayer_lowered  }
0x9b: {  	s22 =	simm.s32 $0x1BFF;
	s21 =	sshll.u32 s6, $0x1;
	s3 =	sadd.s32 s4, s19  }
0x9c: {  	s7 =	simm.s32 $0x0;
	s20 =	sshll.u32 s5, $0x1;
	s5 =	sadd.s32 s21, s3  }
0x9d: {  	[timem:s7], [sflag:s22] =	dma.local [hbm:s5], s20  }
0x9e: {  	_ =	swait.ge [sflag:s22], s20  }
0x9f: {  	s4 =	ssub.s32 $0x0, s20;
	[sflag:s22] =	ssyncset.done $0x0  }
0xa0: {  	[sflag:s22] =	ssyncadd.s32 s4;
	_ =	sdelay $0x1  }
0xa1: {  	s23 =	simm.s32 $0x1B8B  }
0xa2: {  	_ =	swait.ge [sflag:s23], $0x1  }
0xa3: {  	[sflag:s23] =	ssyncset.done $0x0  }
0xa4: {  	s25 =	simm.s32 $0x1B8E;
	s24 =	sld [smem:$0x3FFE];
	[sflag:s23] =	ssyncadd.s32 $0xFFFFFFFF  }
0xa5: {  	s26 =	simm.s32 $execute0_lowered;
	[smem:$0x3FD2] =	sst s25  }
0xa6: {  	s5 =	sshll.u32 s26, $0x1;
	_ =	strace $0x80000049;
	[dreg:$0x1] =	wrdreg $0xFFFFFFFF  }
0xa7: {  	s28 =	simm.s32 $_size_execute0_lowered;
	s3 =	sadd.s32 s3, s5;
	[dreg:$0x0] =	wrdreg $0x0  }
0xa8: {  	s5 =	sshll.u32 s28, $0x1;
	[dreg:$0x2] =	wrdreg s3  }
0xa9: {  	[dreg:$0x3] =	wrdreg s5  }
0xaa: {  	[dreg:$0x4] =	wrdreg $0xC0  }
0xab: {  	_ =	task [dreg:s7], $0x5FFFF  }
0xac: {  	[dreg:$0x1] =	wrdreg $0xFFFFFFFF  }
0xad: {  	[dreg:$0x0] =	wrdreg $0x60  }
0xae: {  	[dreg:$0x2] =	wrdreg s2  }
0xaf: {  	[dreg:$0x3] =	wrdreg s24  }
0xb0: {  	[dreg:$0x4] =	wrdreg $0x76200  }
0xb1: {  	[dreg:$0x5] =	wrdreg $0x9  }
0xb2: {  	_ =	task.clear_ibuf [dreg:s7], $0x6FFFF;
	_ =	strace $0x90000049  }
0xb3: {  	s29 =	simm.s32 $0x9;
	_ =	strace $0x8000004B  }
0xb4: {  	_ =	swait.ge [sflag:s29], $0x1  }
0xb5: {  	[sflag:s29] =	ssyncadd.s32 $0xFFFFFFFF  }
0xb6: {  	_ =	strace $0x9000004B  }
0xb7: {  	_ =	sfence  }
0xb8: {  	s30 =	sld [smem:$0x0];
	_ =	sdelay $0x2  }
0xb9: {  	s31 =	sshll.u32 s1, $0xD;
	s1 =	sshrl.u32 s1, $0x2  }
0xba: {  	s3 =	sand.u32 $0x4000, s31;
	s1 =	sadd.s32 s1, s30  }
0xbb: {  	s0 =	sor.u32 s3, s0;
	s1 =	sshll.u32 s1, $0x11  }
0xbc: {  	s0 =	sor.u32 s1, s0  }
0xbd: {  	s0 =	sadd.s32 $0x8F2B, s0  }
0xbe: {  	[sflag:s0] =	ssyncadd.remote.s32 $0x1  }
0xbf: {  	_ =	sfence.sel $0xFFFF  }
0xc0: {  	[dreg:$0x0] =	wrdreg $0xFFFFFFFF;
	(pc) =	sbr.abs _section_cstart, $3  }
0xc1: {  	[dreg:$0x1] =	wrdreg $0xFFFFFFFF  }
0xc2: {  	_ =	task.clear_ibuf [dreg:s7], $0x2FFFF;
	_ =	strace $0x9FFFFFFF  }
0xc3: {  	(tm) =	ssettm $0x7FFFFFFF  }
tec
execute0_lowered:
.L_overlay_start_1:
0x0: {  	(tag) =	ssettag $0x1  }
0x1: {  	s1 =	rddreg [dreg:$0x0];
	s2 =	srdreg.scid  }
0x2: {  	s0 =	stileid.u32;
	s6 =	rddreg [dreg:$0x1]  }
0x3: {  	s3 =	rddreg [dreg:$0x2];
	s4 =	simm.s32 $0x0;
	s16 =	simm.s32 $0x50  }
0x4: {  	s17 =	simm.s32 $0x4E20;
	s18 =	simm.s32 $0x6220;
	s19 =	simm.s32 $0x1  }
0x5: {  	s20 =	simm.s32 $0x4DD0;
	s22 =	simm.s32 $0x0;
	s7 =	sand.u32 $0x1, s2  }
0x6: {  	s26 =	sshll.u32 s0, $0x1;
	s2 =	rddreg [dreg:$0x3];
	s8 =	smul.u32 $0x27800, s0  }
0x7: {  	[smem:$0x7FF] =	sst s4;
	s11 =	smul.u32 $0x9E00, s0;
	s12 =	sadd.s32 $0x16C00, s6  }
0x8: {  	s15 =	sadd.s32 $0x94200, s3;
	p0 =	seq.s32 s0, $0xF;
	s5 =	sor.u32 s7, s26  }
0x9: {  	_ =	strace $0x8000004A;
	s10 =	smul.u32 $0x9C400, s7;
	s7 =	ssub.s32 $0x2, s7  }
0xa: {  	s5 =	smul.u32 $0x4E2, s5;
	s28 =	sshrl.u32 s7, $0x1;
	s8 =	sshrl.u32 s8, $0x2  }
0xb: {  	s21 =	sadd.s32 s11, s3;
	s13 =	ssub.s32 s7, s28;
	s14 =	sadd.s32 s8, s3  }
0xc: {  	s29 =	sadd.s32 s11, s10;
	s31 =	sshrl.u32 s10, $0x3;
	s11 =	sshrl.u32 @p0 s15, $0x3  }
0xd: {  	s15 =	simm.s32 $0x2710;
	s21 =	sshrl.u32 @!p0 s21, $0x3;
	s9 =	sadd.s32 s5, s6  }
0xe: {  	s5 =	sadd.s32 $0x15800, s6;
	s30 =	sshrl.u32 s29, $0x3;
	s10 =	smax.u32 s13, $0x1  }
0xf: {  	s13 =	sshrl.u32 @!p0 s14, $0x3;
	s6 =	sadd.s32 $0xB200, s9;
	s7 =	sadd.s32 $0x1400, s9  }
0x10: {  	s8 =	sadd.s32 s12, s30;
	s9 =	sadd.s32 s12, s31;
	s12 =	sshll.u32 @!p0 s0, $0x6  }
0x11: {  	s14 =	simm.s32 $0x2;
	s9 =	sadd.s32 $0x12840, s9;
	s12 =	sor.u32 @!p0 $0x1C02, s12  }
.LBB2_1:
0x12: {  	s23 =	simm.s32 @p0 $0x1FC2  }
0x13: {  	[spmem:s11], [sflag:s23] =	dma.local @p0 [hbm:s5], $0x1040  }
0x14: {  	s23 =	simm.s32 @p0 $0x2  }
0x15: {  	_ =	swait.ge @p0 [sflag:s23], $0x1040  }
0x16: {  	[sflag:s23] =	ssyncset.done @p0 $0x0  }
0x17: {  	[sflag:s23] =	ssyncadd.s32 @p0 $0xFFFFEFC0;
	s23 =	simm.s32 @!p0 $0x2  }
0x18: {  	[spmem:s13], [sflag:s12] =	dma.local @!p0 [hbm:s5], $0x13C0  }
0x19: {  	_ =	swait.ge @!p0 [sflag:s23], $0x13C0  }
0x1a: {  	[sflag:s23] =	ssyncset.done @!p0 $0x0  }
0x1b: {  	[sflag:s23] =	ssyncadd.s32 @!p0 $0xFFFFEC40  }
0x1c: {  	[tilespmem:s4], [sflag:$0x2] =	stream.linear.gather [hbm4b:s6+s4], $0x2710, $0x38;
	[tilespmem:$0x11260] =	vst v63  }
0x1d: {  	_ =	swait.ge [sflag:s14], $0x2710  }
0x1e: {  	[sflag:s14] =	ssyncset.done $0x0  }
0x1f: {  	[sflag:s14] =	ssyncadd.s32 $0xFFFFD8F0  }
0x20: {  	[tilespmem:s15], [sflag:$0x2] =	stream.linear.gather [hbm4b:s7+s4], $0x2710, $0x38;
	[tilespmem:$0x11260] =	vst v63  }
0x21: {  	_ =	swait.ge [sflag:s14], $0x2710  }
0x22: {  	[sflag:s14] =	ssyncset.done $0x0  }
0x23: {  	[sflag:s14] =	ssyncadd.s32 $0xFFFFD8F0  }
0x24: {  	[bflag:$0x0] =	sbarrier.arrive $0xFFFF  }
0x25: {  	[tilespmem:s17], [sflag:$0x1] =	stream.indirect.gather [hbm4b:s1+s16], $0x40, s4, s16, $0xb8;
	[tilespmem:$0x11260] =	vst v63  }
0x26: {  	s28 =	simm.s32 $0x50  }
0x27: {  	[tilespmem:s18], [sflag:$0x1] =	stream.indirect.gather [hbm4b:s1+s16], $0x40, s28, s16, $0xb8;
	[tilespmem:$0x11260] =	vst v63  }
0x28: {  	_ =	swait.ge [sflag:s19], $0x1400  }
0x29: {  	[sflag:s19] =	ssyncset.done $0x0  }
0x2a: {  	s29 =	simm.s32 $0x2710;
	[sflag:s19] =	ssyncadd.s32 $0xFFFFEC00  }
0x2b: {  	[spmem:s3] =	stream.indirect.scatter.add.f32 [tilespmem:s17], [sflag:$0x2], $0x40, s29, s16, $0xb8;
	[tilespmem:$0x11260] =	vst v63  }
0x2c: {  	_ =	swait.ge [sflag:s14], $0x1400  }
0x2d: {  	[sflag:s14] =	ssyncset.done $0x0  }
0x2e: {  	s30 =	simm.s32 $0xA0;
	[sflag:s14] =	ssyncadd.s32 $0xFFFFEC00  }
0x2f: {  	[tilespmem:s17], [sflag:$0x1] =	stream.indirect.gather [hbm4b:s1+s16], $0x40, s30, s16, $0xb8;
	[tilespmem:$0x11260] =	vst v63  }
0x30: {  	_ =	swait.ge [sflag:s19], $0x1400  }
0x31: {  	[sflag:s19] =	ssyncset.done $0x0  }
0x32: {  	s31 =	simm.s32 $0x2760;
	[sflag:s19] =	ssyncadd.s32 $0xFFFFEC00  }
0x33: {  	[spmem:s3] =	stream.indirect.scatter.add.f32 [tilespmem:s18], [sflag:$0x2], $0x40, s31, s16, $0xb8;
	[tilespmem:$0x11260] =	vst v63  }
0x34: {  	_ =	swait.ge [sflag:s14], $0x1400  }
0x35: {  	s24 =	simm.s32 $0x500;
	s23 =	simm.s32 $0xA0;
	[sflag:s14] =	ssyncset.done $0x0  }
.LBB2_2:
0x36: {  	s25 =	sadd.s32 $0x50, s23  }
0x37: {  	[sflag:s14] =	ssyncadd.s32 $0xFFFFEC00;
	s26 =	smov.u32 s24;
	s28 =	sadd.s32 $0x280, s24  }
0x38: {  	[tilespmem:s18], [sflag:$0x1] =	stream.indirect.gather [hbm4b:s1+s16], $0x40, s25, s16, $0xb8;
	[tilespmem:$0x11260] =	vst v63  }
0x39: {  	p1 =	sne.s32 s24, $0x9880;
	_ =	swait.ge [sflag:s19], $0x1400  }
0x3a: {  	[sflag:s19] =	ssyncset.done $0x0  }
0x3b: {  	s24 =	sadd.s32 $0x2710, s23;
	[sflag:s19] =	ssyncadd.s32 $0xFFFFEC00  }
0x3c: {  	[spmem:s3] =	stream.indirect.scatter.add.f32 [tilespmem:s17], [sflag:$0x2], $0x40, s24, s16, $0xb8;
	[tilespmem:$0x11260] =	vst v63  }
0x3d: {  	_ =	swait.ge [sflag:s14], $0x1400  }
0x3e: {  	[sflag:s14] =	ssyncset.done $0x0  }
0x3f: {  	s24 =	sadd.s32 $0xA0, s23;
	[sflag:s14] =	ssyncadd.s32 $0xFFFFEC00  }
0x40: {  	[tilespmem:s17], [sflag:$0x1] =	stream.indirect.gather [hbm4b:s1+s16], $0x40, s24, s16, $0xb8;
	[tilespmem:$0x11260] =	vst v63  }
0x41: {  	_ =	swait.ge [sflag:s19], $0x1400  }
.Ltmp0:
0x42: {  	[sflag:s19] =	ssyncset.done $0x0;
	(pc) =	sbr.rel @p1 .LBB2_2-.Ltmp0, $4  }
0x43: {  	s23 =	sadd.s32 $0x2760, s23;
	[sflag:s19] =	ssyncadd.s32 $0xFFFFEC00  }
0x44: {  	[spmem:s3] =	stream.indirect.scatter.add.f32 [tilespmem:s18], [sflag:$0x2], $0x40, s23, s16, $0xb8;
	[tilespmem:$0x11260] =	vst v63  }
0x45: {  	_ =	swait.ge [sflag:s14], $0x1400  }
0x46: {  	s24 =	smov.u32 s28;
	s23 =	sshra.s32 s26, $0x2;
	[sflag:s14] =	ssyncset.done $0x0  }
0x47: {  	s24 =	sadd.s32 $0x50, s23;
	[sflag:s14] =	ssyncadd.s32 $0xFFFFEC00  }
0x48: {  	[tilespmem:s18], [sflag:$0x1] =	stream.indirect.gather [hbm4b:s1+s16], $0x40, s24, s16, $0xb8;
	[tilespmem:$0x11260] =	vst v63  }
0x49: {  	_ =	swait.ge [sflag:s19], $0x1400  }
0x4a: {  	[sflag:s19] =	ssyncset.done $0x0  }
0x4b: {  	s29 =	sadd.s32 $0x2710, s23;
	[sflag:s19] =	ssyncadd.s32 $0xFFFFEC00  }
0x4c: {  	[spmem:s3] =	stream.indirect.scatter.add.f32 [tilespmem:s17], [sflag:$0x2], $0x40, s29, s16, $0xb8;
	[tilespmem:$0x11260] =	vst v63  }
0x4d: {  	_ =	swait.ge [sflag:s14], $0x1400  }
0x4e: {  	[sflag:s14] =	ssyncset.done $0x0  }
0x4f: {  	s30 =	sadd.s32 $0xA0, s23;
	[sflag:s14] =	ssyncadd.s32 $0xFFFFEC00  }
0x50: {  	[tilespmem:s17], [sflag:$0x1] =	stream.indirect.gather [hbm4b:s1+s16], $0x40, s30, s16, $0xb8;
	[tilespmem:$0x11260] =	vst v63  }
0x51: {  	_ =	swait.ge [sflag:s19], $0x1400  }
0x52: {  	[sflag:s19] =	ssyncset.done $0x0  }
0x53: {  	s31 =	sadd.s32 $0x2760, s23;
	[sflag:s19] =	ssyncadd.s32 $0xFFFFEC00  }
0x54: {  	[spmem:s3] =	stream.indirect.scatter.add.f32 [tilespmem:s18], [sflag:$0x2], $0x40, s31, s16, $0xb8;
	[tilespmem:$0x11260] =	vst v63  }
0x55: {  	_ =	swait.ge [sflag:s14], $0x1400  }
0x56: {  	[sflag:s14] =	ssyncset.done $0x0  }
0x57: {  	[sflag:s14] =	ssyncadd.s32 $0xFFFFEC00  }
0x58: {  	_ =	swait.ge [sflag:s19], $0x1400  }
0x59: {  	[sflag:s19] =	ssyncset.done $0x0  }
0x5a: {  	[sflag:s19] =	ssyncadd.s32 $0xFFFFEC00  }
0x5b: {  	[spmem:s3] =	stream.indirect.scatter.add.f32 [tilespmem:s17], [sflag:$0x2], $0x40, s20, s16, $0xb8;
	[tilespmem:$0x11260] =	vst v63  }
0x5c: {  	_ =	swait.ge [sflag:s14], $0x1400  }
0x5d: {  	[sflag:s14] =	ssyncset.done $0x0  }
0x5e: {  	[sflag:s14] =	ssyncadd.s32 $0xFFFFEC00  }
0x5f: {  	s23 =	simm.s32 @p0 $0x1FC2;
	[bflag:$0x0] =	sbarrier.arrive $0xFFFF  }
0x60: {  	[hbm:s9], [sflag:s23] =	dma.local @p0 [spmem:s11], $0x1040  }
0x61: {  	s23 =	simm.s32 @p0 $0x2  }
0x62: {  	s22 =	sadd.s32 $0x1, s22;
	_ =	swait.ge @p0 [sflag:s23], $0x1040  }
0x63: {  	p1 =	sne.s32 s22, s10;
	[sflag:s23] =	ssyncset.done @p0 $0x0  }
.Ltmp1:
0x64: {  	[sflag:s23] =	ssyncadd.s32 @p0 $0xFFFFEFC0;
	s23 =	simm.s32 @!p0 $0x2;
	(pc) =	sbr.rel @p1 .LBB2_1-.Ltmp1, $4  }
0x65: {  	[hbm:s8], [sflag:s12] =	dma.local @!p0 [spmem:s21], $0x13C0  }
0x66: {  	_ =	swait.ge @!p0 [sflag:s23], $0x13C0  }
0x67: {  	[sflag:s23] =	ssyncset.done @!p0 $0x0  }
0x68: {  	[sflag:s23] =	ssyncadd.s32 @!p0 $0xFFFFEC40  }
0x69: {  	_ =	sfence.sel $0x180000  }
0x6a: {  	[bflag:$0x0] =	sbarrier.arrive $0xFFFF  }
0x6b: {  	p0 =	sne.s32 s0, $0x0;
	_ =	strace $0x9000004A  }
0x6c: {  	s0 =	sadd.s32 @!p0 $0x100000, s2;
	[bflag:$0x2] =	sbarrier.arrive $0xFFFF  }
0x6d: {  	[sflag:s0] =	ssyncadd.tile.s32 @!p0 $0x1;
	_ =	shalt  }
.Lfunc_end2:
_tile_overlayer_lowered:
.L_overlay_start_2:
0x6e: {  	(tag) =	ssettag $0x2  }
0x6f: {  	s0 =	rddreg [dreg:$0x0];
	s2 =	stileid.u32  }
0x70: {  	s1 =	rddreg [dreg:$0x1];
	p0 =	sne.s32 s2, $0x0  }
0x71: {  	s3 =	rddreg [dreg:$0x2];
	[bflag:$0x3] =	sbarrier.arrive $0xFFFF;
	s2 =	simm.s32 @!p0 $0x1C02  }
0x72: {  	[timem:s3], [sflag:s2] =	dma.local @!p0 [hbm:s0], s1  }
0x73: {  	s0 =	simm.s32 @!p0 $0x2  }
0x74: {  	_ =	swait.ge @!p0 [sflag:s0], s1  }
0x75: {  	s1 =	ssub.s32 @!p0 $0x0, s1;
	[sflag:s0] =	ssyncset.done @!p0 $0x0  }
0x76: {  	[sflag:s0] =	ssyncadd.s32 @!p0 s1  }
0x77: {  	[bflag:$0x3] =	sbarrier.arrive $0xFFFF  }
0x78: {  	_ =	shalt  }

// kernel: kernel.7.cloned.1.call-start
scs
__scs_entry_jumppad:
0x0: {  	(pc) =	sbr.rel $0x88, $3  }
0x1: {  	(tag) =	ssettag $0x0;
	lr =	simm.s32 $0x1  }
0x2: {  	[smem:$0x3F99] =	sst lr;
	_ =	strace $0xD0000000  }
0x3: {  	_ = 	snop  }
0x4: {  	_ = 	snop  }
0x5: {  	_ = 	snop  }
0x6: {  	_ = 	snop  }
0x7: {  	_ = 	snop  }
__scs_overlays_trampoline_lowered:
0x8: {  	[smem:$0x3FA8] =	sst s0  }
0x9: {  	[smem:$0x3FA9] =	sst s1  }
0xa: {  	[smem:$0x3FAA] =	sst s2  }
0xb: {  	[smem:$0x3FAB] =	sst s3  }
0xc: {  	[smem:$0x3FAC] =	sst s4  }
0xd: {  	[smem:$0x3FAD] =	sst s5  }
0xe: {  	[smem:$0x3FAE] =	sst s6  }
0xf: {  	[smem:$0x3FAF] =	sst s7  }
0x10: {  	[smem:$0x3FB0] =	sst s8  }
0x11: {  	[smem:$0x3FB1] =	sst s9;
	s0 =	simm.s32 @!p0 $0x0  }
0x12: {  	s1 =	sld [smem:$0x3F97];
	s0 =	simm.s32 @p0 $0x1  }
0x13: {  	[smem:$0x3FB2] =	sst s0;
	s0 =	simm.s32 @!p1 $0x0  }
0x14: {  	s2 =	sld [smem:$0x3F96];
	s0 =	simm.s32 @p1 $0x1  }
0x15: {  	[smem:$0x3FB3] =	sst s0;
	s0 =	simm.s32 @!p2 $0x0  }
0x16: {  	s3 =	sld [smem:$0x3FDB];
	s0 =	simm.s32 @p2 $0x1  }
0x17: {  	s4 =	simm.s32 $0x1BF5;
	[smem:$0x3FB5] =	sst s0  }
0x18: {  	s0 =	sld [smem:$0x3F98];
	_ =	swait.ge [sflag:s4], $0x0  }
0x19: {  	s7 =	sld [smem:$0x3F99]  }
0x1a: {  	s8 =	sadd.s32 $0xFFFFE003, lr  }
0x1b: {  	s9 =	sadd.s32 $0xFFFFFEF7, lr;
	s5 =	simm.s32 $0xFFFFFFFF;
	p2 =	slt.u32 s8, $0xFFFFF086  }
0x1c: {  	p1 =	slt.u32 s9, $0xF7A;
	s5 =	simm.s32 @!p2 $0x0  }
0x1d: {  	s5 =	simm.s32 @p1 $0x1;
	p0 =	seq.s32 s7, s2  }
0x1e: {  	s7 =	smul.u32 @!p0 $0xF7A, s2;
	p2 =	seq.s32 @!p0 s5, $0x0  }
0x1f: {  	s9 =	smul.u32 $0xF7A, s1;
	s8 =	simm.s32 @!p0 $0x1BF5;
	p2 =	por !p2, p0  }
0x20: {  	[sflag:s8] =	ssyncset.s32 @!p0 $0xFFFFF086;
	s6 =	sadd.s32 @!p0 s3, s7;
	s7 =	simm.s32 @!p0 $0x108  }
0x21: {  	s3 =	sadd.s32 s3, s9;
	s6 =	sadd.s32 @!p0 $0x88, s6;
	s7 =	simm.s32 @p2 $0x1082  }
0x22: {  	[simem:s7], [sflag:s8] =	dma.local @!p0 [hbm:s6], $0xF7A  }
0x23: {  	s9 =	sor.u32 $0xD0000000, s2;
	s6 =	simm.s32 $0x108;
	_ =	swait.ge @!p0 [sflag:s8], $0x0  }
0x24: {  	s3 =	sadd.s32 $0x88, s3;
	s6 =	simm.s32 @!p1 $0x1082;
	[sflag:s4] =	ssyncset.s32 $0xFFFFF086  }
0x25: {  	[simem:s6], [sflag:s4] =	dma.local [hbm:s3], $0xF7A  }
0x26: {  	[smem:$0x3F99] =	sst s1;
	(tag) =	ssettag s2;
	_ =	strace s9  }
0x27: {  	s1 =	sld [smem:$0x3FA9]  }
0x28: {  	s2 =	sld [smem:$0x3FAA]  }
0x29: {  	s4 =	sld [smem:$0x3FAC]  }
0x2a: {  	p0 =	seq.s32 s5, $0x0;
	s5 =	sld [smem:$0x3FAD]  }
0x2b: {  	s6 =	sld [smem:$0x3FAE]  }
0x2c: {  	s7 =	sld [smem:$0x3FAF]  }
0x2d: {  	s3 =	simm.s32 $0x108;
	s8 =	sld [smem:$0x3FB0]  }
0x2e: {  	s3 =	simm.s32 @!p0 $0x1082;
	s9 =	sld [smem:$0x3FB1]  }
0x2f: {  	lr =	sadd.s32 s0, s3;
	s0 =	sld [smem:$0x3FA8]  }
0x30: {  	s3 =	sld [smem:$0x3FAB]  }
0x31: {  	[smem:$0x3FB4] =	sst s10  }
0x32: {  	s10 =	sld [smem:$0x3FB2];
	_ =	sdelay $0x3  }
0x33: {  	p0 =	seq.s32 s10, $0x1;
	s10 =	sld [smem:$0x3FB4];
	_ =	sdelay $0x3  }
0x34: {  	[smem:$0x3FB4] =	sst s10  }
0x35: {  	s10 =	sld [smem:$0x3FB3];
	_ =	sdelay $0x3  }
0x36: {  	p1 =	seq.s32 s10, $0x1;
	s10 =	sld [smem:$0x3FB4];
	_ =	sdelay $0x3  }
0x37: {  	[smem:$0x3FB4] =	sst s10  }
0x38: {  	s10 =	sld [smem:$0x3FB5]  }
0x39: {  	_ = 	snop;
	(pc) =	sbr.ind lr, $3  }
0x3a: {  	_ = 	snop  }
0x3b: {  	_ = 	snop  }
0x3c: {  	p2 =	seq.s32 s10, $0x1;
	s10 =	sld [smem:$0x3FB4]  }
0x3d: {  	_ =	shalt  }
0x3e: {  	_ =	shalt  }
0x3f: {  	_ =	shalt  }
0x40: {  	_ =	shalt  }
0x41: {  	_ =	shalt  }
0x42: {  	_ =	shalt  }
0x43: {  	_ =	shalt  }
0x44: {  	_ =	shalt  }
0x45: {  	_ =	shalt  }
0x46: {  	_ =	shalt  }
0x47: {  	_ =	shalt  }
0x48: {  	_ =	shalt  }
0x49: {  	_ =	shalt  }
0x4a: {  	_ =	shalt  }
0x4b: {  	_ =	shalt  }
0x4c: {  	_ =	shalt  }
0x4d: {  	_ =	shalt  }
0x4e: {  	_ =	shalt  }
0x4f: {  	_ =	shalt  }
0x50: {  	_ =	shalt  }
0x51: {  	_ =	shalt  }
0x52: {  	_ =	shalt  }
0x53: {  	_ =	shalt  }
0x54: {  	_ =	shalt  }
0x55: {  	_ =	shalt  }
0x56: {  	_ =	shalt  }
0x57: {  	_ =	shalt  }
0x58: {  	_ =	shalt  }
0x59: {  	_ =	shalt  }
0x5a: {  	_ =	shalt  }
0x5b: {  	_ =	shalt  }
0x5c: {  	_ =	shalt  }
0x5d: {  	_ =	shalt  }
0x5e: {  	_ =	shalt  }
0x5f: {  	_ =	shalt  }
0x60: {  	_ =	shalt  }
0x61: {  	_ =	shalt  }
0x62: {  	_ =	shalt  }
0x63: {  	_ =	shalt  }
0x64: {  	_ =	shalt  }
0x65: {  	_ =	shalt  }
0x66: {  	_ =	shalt  }
0x67: {  	_ =	shalt  }
0x68: {  	_ =	shalt  }
0x69: {  	_ =	shalt  }
0x6a: {  	_ =	shalt  }
0x6b: {  	_ =	shalt  }
0x6c: {  	_ =	shalt  }
0x6d: {  	_ =	shalt  }
0x6e: {  	_ =	shalt  }
0x6f: {  	_ =	shalt  }
0x70: {  	_ =	shalt  }
0x71: {  	_ =	shalt  }
0x72: {  	_ =	shalt  }
0x73: {  	_ =	shalt  }
0x74: {  	_ =	shalt  }
0x75: {  	_ =	shalt  }
0x76: {  	_ =	shalt  }
0x77: {  	_ =	shalt  }
0x78: {  	_ =	shalt  }
0x79: {  	_ =	shalt  }
0x7a: {  	_ =	shalt  }
0x7b: {  	_ =	shalt  }
0x7c: {  	_ =	shalt  }
0x7d: {  	_ =	shalt  }
0x7e: {  	_ =	shalt  }
0x7f: {  	_ =	shalt  }
0x80: {  	_ =	shalt  }
0x81: {  	_ =	shalt  }
0x82: {  	_ =	shalt  }
0x83: {  	_ =	shalt  }
0x84: {  	_ =	shalt  }
0x85: {  	_ =	shalt  }
0x86: {  	_ =	shalt  }
0x87: {  	_ =	shalt  }
.Lfunc_end0:
.L_simem_size_0:
called_computation_lowered:
.L_overlay_start_0:
0x88: {  	s2 =	sld [smem:$0x3FD9]  }
0x89: {  	s3 =	sld [smem:$0x3FFE];
	_ =	sdelay $0x1  }
0x8a: {  	s1 =	srdreg.scid  }
0x8b: {  	s0 =	sand.u32 $0x1, s1  }
0x8c: {  	s17 =	sshll.u32 s0, $0xA;
	s2 =	sadd.s32 s3, s2  }
0x8d: {  	s2 =	sadd.s32 s2, s17  }
0x8e: {  	[smem:$0x3FC0] =	sst s2  }
0x8f: {  	_ = 	snop  }
0x90: {  	s2 =	sld [smem:$0x3FD0];
	(tm) =	ssettm $0x1  }
0x91: {  	s18 =	sld [smem:$0x3FFB];
	_ =	sdelay $0x3  }
0x92: {  	_ =	strace s18  }
0x93: {  	s3 =	sld [smem:$0x3FFC];
	_ =	sdelay $0x3  }
0x94: {  	_ =	strace s3  }
0x95: {  	s3 =	sld [smem:$0x3FFD];
	_ =	sdelay $0x3  }
0x96: {  	_ =	strace s3  }
0x97: {  	_ =	strace $0x8FFFFFFF  }
0x98: {  	s19 =	sld [smem:$0x3FDB];
	_ =	sdelay $0x1  }
0x99: {  	s4 =	simm.s32 $_scs_section_size  }
0x9a: {  	s5 =	simm.s32 $_size__tile_overlayer_lowered;
	s6 =	simm.s32 $_tile_overlayer_lowered  }
0x9b: {  	s22 =	simm.s32 $0x1BFF;
	s21 =	sshll.u32 s6, $0x1;
	s3 =	sadd.s32 s4, s19  }
0x9c: {  	s7 =	simm.s32 $0x0;
	s20 =	sshll.u32 s5, $0x1;
	s5 =	sadd.s32 s21, s3  }
0x9d: {  	[timem:s7], [sflag:s22] =	dma.local [hbm:s5], s20  }
0x9e: {  	_ =	swait.ge [sflag:s22], s20  }
0x9f: {  	s4 =	ssub.s32 $0x0, s20;
	[sflag:s22] =	ssyncset.done $0x0  }
0xa0: {  	[sflag:s22] =	ssyncadd.s32 s4;
	_ =	sdelay $0x1  }
0xa1: {  	s23 =	simm.s32 $0x1B8B  }
0xa2: {  	_ =	swait.ge [sflag:s23], $0x1  }
0xa3: {  	[sflag:s23] =	ssyncset.done $0x0  }
0xa4: {  	s25 =	simm.s32 $0x1B8E;
	s24 =	sld [smem:$0x3FFE];
	[sflag:s23] =	ssyncadd.s32 $0xFFFFFFFF  }
0xa5: {  	s26 =	simm.s32 $execute0_lowered;
	[smem:$0x3FD2] =	sst s25  }
0xa6: {  	s5 =	sshll.u32 s26, $0x1;
	_ =	strace $0x80000046;
	[dreg:$0x1] =	wrdreg $0xFFFFFFFF  }
0xa7: {  	s28 =	simm.s32 $_size_execute0_lowered;
	s3 =	sadd.s32 s3, s5;
	[dreg:$0x0] =	wrdreg $0x0  }
0xa8: {  	s5 =	sshll.u32 s28, $0x1;
	[dreg:$0x2] =	wrdreg s3  }
0xa9: {  	[dreg:$0x3] =	wrdreg s5  }
0xaa: {  	[dreg:$0x4] =	wrdreg $0xC0  }
0xab: {  	_ =	task [dreg:s7], $0x5FFFF  }
0xac: {  	[dreg:$0x1] =	wrdreg $0xFFFFFFFF  }
0xad: {  	[dreg:$0x0] =	wrdreg $0x60  }
0xae: {  	[dreg:$0x2] =	wrdreg s2  }
0xaf: {  	[dreg:$0x3] =	wrdreg s24  }
0xb0: {  	[dreg:$0x4] =	wrdreg $0x76200  }
0xb1: {  	[dreg:$0x5] =	wrdreg $0x117600  }
0xb2: {  	[dreg:$0x6] =	wrdreg $0x9  }
0xb3: {  	_ =	task.clear_ibuf [dreg:s7], $0x7FFFF;
	_ =	strace $0x90000046  }
0xb4: {  	s29 =	simm.s32 $0x9;
	_ =	strace $0x80000048  }
0xb5: {  	_ =	swait.ge [sflag:s29], $0x1  }
0xb6: {  	[sflag:s29] =	ssyncadd.s32 $0xFFFFFFFF  }
0xb7: {  	_ =	strace $0x90000048  }
0xb8: {  	_ =	sfence  }
0xb9: {  	s30 =	sld [smem:$0x0];
	_ =	sdelay $0x2  }
0xba: {  	s31 =	sshll.u32 s1, $0xD;
	s1 =	sshrl.u32 s1, $0x2  }
0xbb: {  	s3 =	sand.u32 $0x4000, s31;
	s1 =	sadd.s32 s1, s30  }
0xbc: {  	s0 =	sor.u32 s3, s0;
	s1 =	sshll.u32 s1, $0x11  }
0xbd: {  	s0 =	sor.u32 s1, s0  }
0xbe: {  	s0 =	sadd.s32 $0x8F2B, s0  }
0xbf: {  	[sflag:s0] =	ssyncadd.remote.s32 $0x1  }
0xc0: {  	_ =	sfence.sel $0xFFFF  }
0xc1: {  	[dreg:$0x0] =	wrdreg $0xFFFFFFFF;
	(pc) =	sbr.abs _section_cstart, $3  }
0xc2: {  	[dreg:$0x1] =	wrdreg $0xFFFFFFFF  }
0xc3: {  	_ =	task.clear_ibuf [dreg:s7], $0x2FFFF;
	_ =	strace $0x9FFFFFFF  }
0xc4: {  	(tm) =	ssettm $0x7FFFFFFF  }
0xc5: {  	_ =	shalt  }
tec
execute0_lowered:
.L_overlay_start_1:
0x0: {  	(tag) =	ssettag $0x1  }
0x1: {  	s1 =	rddreg [dreg:$0x0]  }
0x2: {  	s0 =	rddreg [dreg:$0x1]  }
0x3: {  	s2 =	srdreg.scid;
	s3 =	rddreg [dreg:$0x2]  }
0x4: {  	s20 =	stileid.u32;
	s4 =	rddreg [dreg:$0x3]  }
0x5: {  	s28 =	simm.s32 $0x6220;
	s29 =	simm.s32 $0x1;
	s30 =	simm.s32 $0x4DD0  }
0x6: {  	s31 =	simm.s32 $0x2;
	s2 =	sand.u32 $0x1, s2;
	s11 =	smul.u32 $0x27800, s20  }
0x7: {  	s5 =	sshll.u32 s20, $0x1;
	s7 =	sadd.s32 $0x15200, s0;
	s14 =	smul.u32 $0x9E00, s20  }
0x8: {  	s9 =	sadd.s32 $0x15000, s0;
	s22 =	sadd.s32 $0x94200, s3;
	s16 =	smul.u32 $0x2780, s20  }
0x9: {  	s23 =	sadd.s32 $0x25080, s4;
	p0 =	seq.s32 s20, $0xF;
	s15 =	smul.u32 $0x9C400, s2  }
0xa: {  	s6 =	sor.u32 s2, s5;
	s10 =	ssub.s32 $0x2, s2;
	s2 =	smul.u32 $0x27100, s2  }
0xb: {  	s20 =	simm.s32 $0x11260;
	s5 =	simm.s32 $0x0;
	s6 =	smul.u32 $0x4E2, s6  }
0xc: {  	[smem:$0x7FF] =	sst s5;
	s12 =	sshrl.u32 s10, $0x1;
	s11 =	sshrl.u32 s11, $0x2  }
0xd: {  	s21 =	sshrl.u32 s14, $0x2;
	_ =	strace $0x80000047;
	[dreg:$0x5] =	wrdreg s9  }
0xe: {  	s9 =	sadd.s32 $0x16C00, s0;
	s10 =	ssub.s32 s10, s12;
	[dreg:$0x6] =	wrdreg s22  }
0xf: {  	s18 =	sadd.s32 s11, s3;
	s19 =	sadd.s32 s21, s4;
	[dreg:$0x7] =	wrdreg s23  }
0x10: {  	s13 =	sadd.s32 s14, s15;
	s17 =	sadd.s32 s16, s2;
	s15 =	sshrl.u32 s15, $0x3  }
0x11: {  	s2 =	sshrl.u32 s2, $0x3;
	s22 =	sadd.s32 s16, s4;
	s21 =	simm.s32 $0x3  }
0x12: {  	s23 =	simm.s32 $0x50;
	s8 =	sadd.s32 s6, s0;
	s6 =	sadd.s32 $0x15800, s0  }
0x13: {  	s0 =	sadd.s32 $0x3DE00, s0;
	s25 =	sshrl.u32 s13, $0x3;
	s26 =	sshrl.u32 s17, $0x3  }
0x14: {  	s17 =	smax.u32 s10, $0x1;
	s18 =	sshrl.u32 @!p0 s18, $0x3;
	s19 =	sshrl.u32 @!p0 s19, $0x3  }
0x15: {  	s24 =	sadd.s32 $0xB200, s8;
	s8 =	sadd.s32 $0x1400, s8;
	s13 =	sadd.s32 s9, s25  }
0x16: {  	s9 =	sadd.s32 s9, s15;
	s25 =	sshrl.u32 @!p0 s22, $0x3;
	[dreg:$0x8] =	wrdreg s24  }
0x17: {  	[dreg:$0x9] =	wrdreg s8;
	s8 =	sadd.s32 s14, s3;
	s14 =	sadd.s32 s0, s26  }
0x18: {  	s0 =	sadd.s32 s0, s2;
	s15 =	sadd.s32 $0x12840, s9;
	s26 =	simm.s32 $0x4E20  }
0x19: {  	s2 =	simm.s32 $0x0;
	s16 =	sadd.s32 $0x4A10, s0;
	s24 =	sshrl.u32 @!p0 s8, $0x3  }
.LBB2_1:
0x1a: {  	s0 =	rddreg [dreg:$0x6]  }
0x1b: {  	s9 =	simm.s32 @p0 $0x3;
	s22 =	sshrl.u32 @p0 s0, $0x3;
	s0 =	simm.s32 @p0 $0x1FC3  }
0x1c: {  	[spmem:s22], [sflag:s0] =	dma.local @p0 [hbm:s6], $0x1040  }
0x1d: {  	_ =	swait.ge @p0 [sflag:s9], $0x1040  }
0x1e: {  	[sflag:s9] =	ssyncset.done @p0 $0x0;
	s8 =	rddreg [dreg:$0x7]  }
0x1f: {  	[sflag:s9] =	ssyncadd.s32 @p0 $0xFFFFEFC0;
	s8 =	sshrl.u32 @p0 s8, $0x3  }
0x20: {  	[spmem:s8], [sflag:s0] =	dma.local @p0 [hbm:s7], $0x410  }
0x21: {  	s0 =	stileid.u32;
	_ =	swait.ge @p0 [sflag:s9], $0x410  }
0x22: {  	s0 =	sshll.u32 @!p0 s0, $0x6;
	[sflag:s9] =	ssyncset.done @p0 $0x0  }
0x23: {  	s0 =	sor.u32 @!p0 $0x1C03, s0;
	[sflag:s9] =	ssyncadd.s32 @p0 $0xFFFFFBF0;
	s9 =	simm.s32 @!p0 $0x3  }
0x24: {  	[spmem:s18], [sflag:s0] =	dma.local @!p0 [hbm:s6], $0x13C0  }
0x25: {  	_ =	swait.ge @!p0 [sflag:s9], $0x13C0  }
0x26: {  	[sflag:s9] =	ssyncset.done @!p0 $0x0  }
0x27: {  	[sflag:s9] =	ssyncadd.s32 @!p0 $0xFFFFEC40  }
0x28: {  	[spmem:s19], [sflag:s0] =	dma.local @!p0 [hbm:s7], $0x4F0  }
0x29: {  	_ =	swait.ge @!p0 [sflag:s9], $0x4F0  }
0x2a: {  	[sflag:s9] =	ssyncset.done @!p0 $0x0  }
0x2b: {  	s12 =	rddreg [dreg:$0x5];
	[sflag:s9] =	ssyncadd.s32 @!p0 $0xFFFFFB10  }
0x2c: {  	[tilespmem:s20], [sflag:$0x3] =	stream.linear.gather [hbm4b:s12+s5], $0x500, $0x38;
	[tilespmem:$0x13E70] =	vst v63  }
0x2d: {  	_ =	swait.ge [sflag:s21], $0x500  }
0x2e: {  	[sflag:s21] =	ssyncset.done $0x0  }
0x2f: {  	s10 =	rddreg [dreg:$0x8];
	[sflag:s21] =	ssyncadd.s32 $0xFFFFFB00  }
0x30: {  	[tilespmem:s5], [sflag:$0x3] =	stream.linear.gather [hbm4b:s10+s5], $0x2710, $0x38;
	[tilespmem:$0x13E70] =	vst v63  }
0x31: {  	_ =	swait.ge [sflag:s21], $0x2710  }
0x32: {  	[sflag:s21] =	ssyncset.done $0x0  }
0x33: {  	s10 =	simm.s32 $0x2710;
	s11 =	rddreg [dreg:$0x9];
	[sflag:s21] =	ssyncadd.s32 $0xFFFFD8F0  }
0x34: {  	[tilespmem:s10], [sflag:$0x3] =	stream.linear.gather [hbm4b:s11+s5], $0x2710, $0x38;
	[tilespmem:$0x13E70] =	vst v63  }
0x35: {  	_ =	swait.ge [sflag:s21], $0x2710  }
0x36: {  	[sflag:s21] =	ssyncset.done $0x0  }
0x37: {  	[sflag:s21] =	ssyncadd.s32 $0xFFFFD8F0  }
0x38: {  	[bflag:$0x0] =	sbarrier.arrive $0xFFFF  }
0x39: {  	[tilespmem:s26], [sflag:$0x1] =	stream.indirect.gather [hbm4b:s1+s23], $0x40, s5, s23, $0xb8;
	[tilespmem:$0x13E70] =	vst v63  }
0x3a: {  	s12 =	simm.s32 $0x50  }
0x3b: {  	[tilespmem:s28], [sflag:$0x1] =	stream.indirect.gather [hbm4b:s1+s23], $0x40, s12, s23, $0xb8;
	[tilespmem:$0x13E70] =	vst v63  }
0x3c: {  	_ =	swait.ge [sflag:s29], $0x1400  }
0x3d: {  	[sflag:s29] =	ssyncset.done $0x0  }
0x3e: {  	s10 =	simm.s32 $0x2710;
	[sflag:s29] =	ssyncadd.s32 $0xFFFFEC00  }
0x3f: {  	[spmem:s4] =	stream.indirect.scatter.add.f32 [tilespmem:s20], [sflag:$0x2], $0x10, s10, s23, $0xb8;
	[tilespmem:$0x13E70] =	vst v63  }
0x40: {  	_ = 	snop  }
0x41: {  	[spmem:s3] =	stream.indirect.scatter.add.f32 [tilespmem:s26], [sflag:$0x3], $0x40, s10, s23, $0xb8;
	[tilespmem:$0x13E70] =	vst v63  }
0x42: {  	_ =	swait.ge [sflag:s21], $0x1400  }
0x43: {  	[sflag:s21] =	ssyncset.done $0x0  }
0x44: {  	s11 =	simm.s32 $0xA0;
	[sflag:s21] =	ssyncadd.s32 $0xFFFFEC00  }
0x45: {  	[tilespmem:s26], [sflag:$0x1] =	stream.indirect.gather [hbm4b:s1+s23], $0x40, s11, s23, $0xb8;
	[tilespmem:$0x13E70] =	vst v63  }
0x46: {  	_ =	swait.ge [sflag:s29], $0x1400  }
0x47: {  	[sflag:s29] =	ssyncset.done $0x0  }
0x48: {  	s12 =	simm.s32 $0x2760;
	[sflag:s29] =	ssyncadd.s32 $0xFFFFEC00  }
0x49: {  	[spmem:s4] =	stream.indirect.scatter.add.f32 [tilespmem:s20], [sflag:$0x2], $0x10, s12, s23, $0xb8;
	[tilespmem:$0x13E70] =	vst v63  }
0x4a: {  	_ = 	snop  }
0x4b: {  	[spmem:s3] =	stream.indirect.scatter.add.f32 [tilespmem:s28], [sflag:$0x3], $0x40, s12, s23, $0xb8;
	[tilespmem:$0x13E70] =	vst v63  }
0x4c: {  	_ =	swait.ge [sflag:s21], $0x1400  }
0x4d: {  	s9 =	simm.s32 $0x280;
	s10 =	simm.s32 $0x500;
	[sflag:s21] =	ssyncset.done $0x0  }
.LBB2_2:
0x4e: {  	s11 =	sshra.s32 s9, $0x2  }
0x4f: {  	[sflag:s21] =	ssyncadd.s32 $0xFFFFEC00;
	s9 =	smov.u32 s10;
	s12 =	sadd.s32 $0x280, s10  }
0x50: {  	p1 =	sne.s32 s10, $0x9880;
	s10 =	sadd.s32 $0x50, s11  }
0x51: {  	[tilespmem:s28], [sflag:$0x1] =	stream.indirect.gather [hbm4b:s1+s23], $0x40, s10, s23, $0xb8;
	[tilespmem:$0x13E70] =	vst v63  }
0x52: {  	_ =	swait.ge [sflag:s29], $0x1400  }
0x53: {  	[sflag:s29] =	ssyncset.done $0x0  }
0x54: {  	s10 =	sadd.s32 $0x2710, s11;
	[sflag:s29] =	ssyncadd.s32 $0xFFFFEC00  }
0x55: {  	[spmem:s4] =	stream.indirect.scatter.add.f32 [tilespmem:s20], [sflag:$0x2], $0x10, s10, s23, $0xb8;
	[tilespmem:$0x13E70] =	vst v63  }
0x56: {  	_ = 	snop  }
0x57: {  	[spmem:s3] =	stream.indirect.scatter.add.f32 [tilespmem:s26], [sflag:$0x3], $0x40, s10, s23, $0xb8;
	[tilespmem:$0x13E70] =	vst v63  }
0x58: {  	_ =	swait.ge [sflag:s21], $0x1400  }
0x59: {  	[sflag:s21] =	ssyncset.done $0x0  }
0x5a: {  	s10 =	sadd.s32 $0xA0, s11;
	[sflag:s21] =	ssyncadd.s32 $0xFFFFEC00  }
0x5b: {  	[tilespmem:s26], [sflag:$0x1] =	stream.indirect.gather [hbm4b:s1+s23], $0x40, s10, s23, $0xb8;
	[tilespmem:$0x13E70] =	vst v63  }
0x5c: {  	_ =	swait.ge [sflag:s29], $0x1400  }
0x5d: {  	[sflag:s29] =	ssyncset.done $0x0  }
0x5e: {  	s10 =	sadd.s32 $0x2760, s11;
	[sflag:s29] =	ssyncadd.s32 $0xFFFFEC00  }
0x5f: {  	[spmem:s4] =	stream.indirect.scatter.add.f32 [tilespmem:s20], [sflag:$0x2], $0x10, s10, s23, $0xb8;
	[tilespmem:$0x13E70] =	vst v63  }
.Ltmp0:
0x60: {  	_ = 	snop;
	(pc) =	sbr.rel @p1 .LBB2_2-.Ltmp0, $4  }
0x61: {  	_ = 	snop  }
0x62: {  	[spmem:s3] =	stream.indirect.scatter.add.f32 [tilespmem:s28], [sflag:$0x3], $0x40, s10, s23, $0xb8;
	[tilespmem:$0x13E70] =	vst v63  }
0x63: {  	_ =	swait.ge [sflag:s21], $0x1400  }
0x64: {  	s10 =	smov.u32 s12;
	[sflag:s21] =	ssyncset.done $0x0  }
0x65: {  	s9 =	sshra.s32 s9, $0x2  }
0x66: {  	[sflag:s21] =	ssyncadd.s32 $0xFFFFEC00;
	s10 =	sadd.s32 $0x50, s9  }
0x67: {  	[tilespmem:s28], [sflag:$0x1] =	stream.indirect.gather [hbm4b:s1+s23], $0x40, s10, s23, $0xb8;
	[tilespmem:$0x13E70] =	vst v63  }
0x68: {  	_ =	swait.ge [sflag:s29], $0x1400  }
0x69: {  	[sflag:s29] =	ssyncset.done $0x0  }
0x6a: {  	s11 =	sadd.s32 $0x2710, s9;
	[sflag:s29] =	ssyncadd.s32 $0xFFFFEC00  }
0x6b: {  	[spmem:s4] =	stream.indirect.scatter.add.f32 [tilespmem:s20], [sflag:$0x2], $0x10, s11, s23, $0xb8;
	[tilespmem:$0x13E70] =	vst v63  }
0x6c: {  	_ = 	snop  }
0x6d: {  	[spmem:s3] =	stream.indirect.scatter.add.f32 [tilespmem:s26], [sflag:$0x3], $0x40, s11, s23, $0xb8;
	[tilespmem:$0x13E70] =	vst v63  }
0x6e: {  	_ =	swait.ge [sflag:s21], $0x1400  }
0x6f: {  	[sflag:s21] =	ssyncset.done $0x0  }
0x70: {  	s12 =	sadd.s32 $0xA0, s9;
	[sflag:s21] =	ssyncadd.s32 $0xFFFFEC00  }
0x71: {  	[tilespmem:s26], [sflag:$0x1] =	stream.indirect.gather [hbm4b:s1+s23], $0x40, s12, s23, $0xb8;
	[tilespmem:$0x13E70] =	vst v63  }
0x72: {  	_ =	swait.ge [sflag:s29], $0x1400  }
0x73: {  	[sflag:s29] =	ssyncset.done $0x0  }
0x74: {  	s9 =	sadd.s32 $0x2760, s9;
	[sflag:s29] =	ssyncadd.s32 $0xFFFFEC00  }
0x75: {  	[spmem:s4] =	stream.indirect.scatter.add.f32 [tilespmem:s20], [sflag:$0x2], $0x10, s9, s23, $0xb8;
	[tilespmem:$0x13E70] =	vst v63  }
0x76: {  	_ = 	snop  }
0x77: {  	[spmem:s3] =	stream.indirect.scatter.add.f32 [tilespmem:s28], [sflag:$0x3], $0x40, s9, s23, $0xb8;
	[tilespmem:$0x13E70] =	vst v63  }
0x78: {  	_ =	swait.ge [sflag:s21], $0x1400  }
0x79: {  	[sflag:s21] =	ssyncset.done $0x0  }
0x7a: {  	[sflag:s21] =	ssyncadd.s32 $0xFFFFEC00  }
0x7b: {  	_ =	swait.ge [sflag:s29], $0x1400  }
0x7c: {  	[sflag:s29] =	ssyncset.done $0x0  }
0x7d: {  	[sflag:s29] =	ssyncadd.s32 $0xFFFFEC00  }
0x7e: {  	[spmem:s4] =	stream.indirect.scatter.add.f32 [tilespmem:s20], [sflag:$0x2], $0x10, s30, s23, $0xb8;
	[tilespmem:$0x13E70] =	vst v63  }
0x7f: {  	_ = 	snop  }
0x80: {  	[spmem:s3] =	stream.indirect.scatter.add.f32 [tilespmem:s26], [sflag:$0x3], $0x40, s30, s23, $0xb8;
	[tilespmem:$0x13E70] =	vst v63  }
0x81: {  	_ =	swait.ge [sflag:s21], $0x1400  }
0x82: {  	[sflag:s21] =	ssyncset.done $0x0  }
0x83: {  	[sflag:s21] =	ssyncadd.s32 $0xFFFFEC00  }
0x84: {  	_ =	swait.ge [sflag:s31], $0x500  }
0x85: {  	s9 =	simm.s32 $0x7C;
	[sflag:s31] =	ssyncset.done $0x0  }
.LBB2_4:
0x86: {  	p1 =	sne.s32 s9, $0x1;
	s9 =	sadd.s32 $0xFFFFFFFF, s9;
	[sflag:s31] =	ssyncadd.s32 $0xFFFFFB00  }
.Ltmp1:
0x87: {  	(pc) =	sbr.rel @p1 .LBB2_4-.Ltmp1, $3  }
0x88: {  	_ =	sdelay $0x1  }
0x89: {  	_ =	swait.ge [sflag:s31], $0x500  }
0x8a: {  	[sflag:s31] =	ssyncset.done $0x0  }
0x8b: {  	[sflag:s31] =	ssyncadd.s32 $0xFFFFFB00  }
0x8c: {  	s9 =	simm.s32 @p0 $0x1FC3;
	s10 =	simm.s32 @p0 $0x3;
	[bflag:$0x0] =	sbarrier.arrive $0xFFFF  }
0x8d: {  	[hbm:s15], [sflag:s9] =	dma.local @p0 [spmem:s22], $0x1040  }
0x8e: {  	_ =	swait.ge @p0 [sflag:s10], $0x1040  }
0x8f: {  	[sflag:s10] =	ssyncset.done @p0 $0x0  }
0x90: {  	[sflag:s10] =	ssyncadd.s32 @p0 $0xFFFFEFC0  }
0x91: {  	[hbm:s16], [sflag:s9] =	dma.local @p0 [spmem:s8], $0x410  }
0x92: {  	_ =	swait.ge @p0 [sflag:s10], $0x410  }
0x93: {  	[sflag:s10] =	ssyncset.done @p0 $0x0  }
0x94: {  	s8 =	simm.s32 @!p0 $0x3;
	[sflag:s10] =	ssyncadd.s32 @p0 $0xFFFFFBF0  }
0x95: {  	[hbm:s13], [sflag:s0] =	dma.local @!p0 [spmem:s24], $0x13C0  }
0x96: {  	s2 =	sadd.s32 $0x1, s2;
	_ =	swait.ge @!p0 [sflag:s8], $0x13C0  }
0x97: {  	p1 =	sne.s32 s2, s17;
	[sflag:s8] =	ssyncset.done @!p0 $0x0  }
.Ltmp2:
0x98: {  	[sflag:s8] =	ssyncadd.s32 @!p0 $0xFFFFEC40;
	(pc) =	sbr.rel @p1 .LBB2_1-.Ltmp2, $4  }
0x99: {  	[hbm:s14], [sflag:s0] =	dma.local @!p0 [spmem:s25], $0x4F0  }
0x9a: {  	_ =	swait.ge @!p0 [sflag:s8], $0x4F0  }
0x9b: {  	[sflag:s8] =	ssyncset.done @!p0 $0x0  }
0x9c: {  	[sflag:s8] =	ssyncadd.s32 @!p0 $0xFFFFFB10  }
0x9d: {  	_ =	sfence.sel $0x180000  }
0x9e: {  	[bflag:$0x0] =	sbarrier.arrive $0xFFFF  }
0x9f: {  	_ =	strace $0x90000047  }
0xa0: {  	s0 =	stileid.u32;
	[bflag:$0x2] =	sbarrier.arrive $0xFFFF  }
0xa1: {  	p0 =	sne.s32 s0, $0x0;
	s0 =	rddreg [dreg:$0x4]  }
0xa2: {  	s0 =	sadd.s32 @!p0 $0x100000, s0  }
0xa3: {  	[sflag:s0] =	ssyncadd.tile.s32 @!p0 $0x1;
	_ =	shalt  }
.Lfunc_end2:
_tile_overlayer_lowered:
.L_overlay_start_2:
0xa4: {  	(tag) =	ssettag $0x2  }
0xa5: {  	s0 =	rddreg [dreg:$0x0];
	s2 =	stileid.u32  }
0xa6: {  	s1 =	rddreg [dreg:$0x1];
	p0 =	sne.s32 s2, $0x0  }
0xa7: {  	s3 =	rddreg [dreg:$0x2];
	[bflag:$0x3] =	sbarrier.arrive $0xFFFF;
	s2 =	simm.s32 @!p0 $0x1C03  }
0xa8: {  	[timem:s3], [sflag:s2] =	dma.local @!p0 [hbm:s0], s1  }
0xa9: {  	s0 =	simm.s32 @!p0 $0x3  }
0xaa: {  	_ =	swait.ge @!p0 [sflag:s0], s1  }
0xab: {  	s1 =	ssub.s32 @!p0 $0x0, s1;
	[sflag:s0] =	ssyncset.done @!p0 $0x0  }
0xac: {  	[sflag:s0] =	ssyncadd.s32 @!p0 s1  }
0xad: {  	[bflag:$0x3] =	sbarrier.arrive $0xFFFF  }
0xae: {  	_ =	shalt  }

</sc_bundles>
